<compile_context>
chip_gen: v7x
topology: tpu7x:2x2x1
jax: 0.10.2.dev20260603
libtpu: 0.0.44.dev20260713+nightly
codegen_flags: <defaults>
</compile_context>

<pallas_src>
import functools

import jax
import jax.numpy as jnp
from jax import lax
from jax.experimental import pallas as pl
from jax.experimental.pallas import tpu as pltpu
from jax.experimental.pallas import tpu_sc as plsc


@functools.lru_cache(maxsize=None)
def _build(B, F, NU1, NI1):
    info = plsc.get_sparse_core_info()
    NC, NS, L = info.num_cores, info.num_subcores, info.num_lanes
    NW = NC * NS
    assert B % NW == 0 and F == 2 * L
    BPW = B // NW
    G = BPW // L

    mesh = plsc.VectorSubcoreMesh(core_axis_name="c", subcore_axis_name="s")

    @functools.partial(
        pl.kernel,
        out_type=jax.ShapeDtypeStruct((B,), jnp.float32),
        mesh=mesh,
        scratch_types=[
            pltpu.VMEM((BPW,), jnp.int32),
            pltpu.VMEM((BPW,), jnp.int32),
            pltpu.VMEM((BPW, F), jnp.float32),
            pltpu.VMEM((BPW, F), jnp.float32),
            pltpu.VMEM((BPW,), jnp.float32),
            pltpu.VMEM((BPW,), jnp.float32),
            pltpu.VMEM((BPW,), jnp.float32),
            pltpu.SemaphoreType.DMA,
            pltpu.SemaphoreType.DMA,
            pltpu.SemaphoreType.DMA,
            pltpu.SemaphoreType.DMA,
        ],
        compiler_params=pltpu.CompilerParams(use_tc_tiling_on_sc=False),
    )
    def k(user_hbm, item_hbm, uf_hbm, itf_hbm, ub_hbm, ib_hbm, out_hbm,
          uidx_v, iidx_v, uf_v, itf_v, ub_v, ib_v, out_v,
          sem_uf, sem_if, sem_ub, sem_ib):
        wid = lax.axis_index("s") * NC + lax.axis_index("c")
        base = wid * BPW

        pltpu.sync_copy(user_hbm.at[pl.ds(base, BPW)], uidx_v)
        pltpu.sync_copy(item_hbm.at[pl.ds(base, BPW)], iidx_v)

        cu = pltpu.async_copy(uf_hbm.at[uidx_v], uf_v, sem_uf)
        ci = pltpu.async_copy(itf_hbm.at[iidx_v], itf_v, sem_if)
        cub = pltpu.async_copy(ub_hbm.at[uidx_v], ub_v, sem_ub)
        cib = pltpu.async_copy(ib_hbm.at[iidx_v], ib_v, sem_ib)
        cu.wait()
        ci.wait()
        cub.wait()
        cib.wait()

        lane = lax.broadcasted_iota(jnp.int32, (L,), 0)
        dnums = lax.GatherDimensionNumbers(
            offset_dims=(), collapsed_slice_dims=(0,), start_index_map=(0,))

        def perm(x, idx):
            return lax.gather(x, idx[:, None], dnums, (1,),
                              mode=lax.GatherScatterMode.PROMISE_IN_BOUNDS)

        bfly = [lane ^ sh for sh in (8, 4, 2, 1)]

        def group(g, carry):
            acc = jnp.zeros((L,), jnp.float32)
            for t in range(L):
                j = g * L + t
                p = (uf_v[j, pl.ds(0, L)] * itf_v[j, pl.ds(0, L)]
                     + uf_v[j, pl.ds(L, L)] * itf_v[j, pl.ds(L, L)])
                for bidx in bfly:
                    p = p + perm(p, bidx)
                acc = jnp.where(lane == t, p, acc)
            off = g * L
            out_v[pl.ds(off, L)] = (acc + ub_v[pl.ds(off, L)]
                                    + ib_v[pl.ds(off, L)])
            return carry

        lax.fori_loop(0, G, group, 0)

        pltpu.sync_copy(out_v, out_hbm.at[pl.ds(base, BPW)])

    return k


def kernel(user, item, user_factors, item_factors, user_bias, item_bias):
    B = user.shape[0]
    F = user_factors.shape[1]
    k = _build(B, F, user_factors.shape[0], item_factors.shape[0])
    return k(
        user.astype(jnp.int32),
        item.astype(jnp.int32),
        user_factors,
        item_factors,
        user_bias.reshape(-1),
        item_bias.reshape(-1),
    )

# --- scband reference (transcript-rebuilt; emitter-appended) ---
"""Pipeline reference for scband-matrix-factorization-74801150427357 (READ-ONLY COPY).

The authoritative reference and input builder live on the scoring server;
editing this copy changes nothing except your own understanding.
"""

import jax, jax.numpy as jnp
import numpy as np

N_USERS = 1000000
N_ITEMS = 1000000
N_FACTORS = 32
BATCH = 16384


def setup_inputs(seed: int = 0) -> dict:
    key = jax.random.key(seed)
    ku, ki, kuf, kif, kub, kib = jax.random.split(key, 6)
    user = jax.random.randint(ku, (BATCH,), 0, N_USERS)
    item = jax.random.randint(ki, (BATCH,), 0, N_ITEMS)
    user_factors = jax.random.normal(kuf, (N_USERS + 1, N_FACTORS), dtype=jnp.float32)
    item_factors = jax.random.normal(kif, (N_ITEMS + 1, N_FACTORS), dtype=jnp.float32)
    user_bias = jax.random.normal(kub, (N_USERS + 1, 1), dtype=jnp.float32)
    item_bias = jax.random.normal(kib, (N_ITEMS + 1, 1), dtype=jnp.float32)
    return {
        "user": user,
        "item": item,
        "user_factors": user_factors,
        "item_factors": item_factors,
        "user_bias": user_bias,
        "item_bias": item_bias,
    }


def reference(user, item, user_factors, item_factors, user_bias, item_bias):
    # Embedding lookups (gather rows)
    ub = jnp.take(user_bias, user, axis=0)      # [B, 1]
    ib = jnp.take(item_bias, item, axis=0)      # [B, 1]
    uf = jnp.take(user_factors, user, axis=0)   # [B, F]
    itf = jnp.take(item_factors, item, axis=0)  # [B, F]
    output = jnp.squeeze(ub + ib, axis=1)       # [B]
    output = output + jnp.sum(uf * itf, axis=1)  # [B]
    return output

if __name__ == "__main__":
    import jax
    _d = setup_inputs()
    print(jax.jit(kernel)(*tuple(_d.values())))

</pallas_src>

<mosaic_0001>
#map = affine_map<(d0, d1) -> (0)>
#map1 = affine_map<(d0, d1) -> (0, 0)>
module attributes {stable_mosaic.version = 14 : i64} {
  func.func @k(%arg0: i32, %arg1: i32, %arg2: memref<16384xi32, #tpu.memory_space<hbm>>, %arg3: memref<16384xi32, #tpu.memory_space<hbm>>, %arg4: memref<1000001x32xf32, #tpu.memory_space<hbm>>, %arg5: memref<1000001x32xf32, #tpu.memory_space<hbm>>, %arg6: memref<1000001xf32, #tpu.memory_space<hbm>>, %arg7: memref<1000001xf32, #tpu.memory_space<hbm>>, %arg8: memref<16384xf32, #tpu.memory_space<hbm>>, %arg9: memref<512xi32, #tpu.memory_space<vmem>>, %arg10: memref<512xi32, #tpu.memory_space<vmem>>, %arg11: memref<512x32xf32, #tpu.memory_space<vmem>>, %arg12: memref<512x32xf32, #tpu.memory_space<vmem>>, %arg13: memref<512xf32, #tpu.memory_space<vmem>>, %arg14: memref<512xf32, #tpu.memory_space<vmem>>, %arg15: memref<512xf32, #tpu.memory_space<vmem>>, %arg16: memref<!tpu.dma_semaphore, #tpu.memory_space<semaphore_mem>>, %arg17: memref<!tpu.dma_semaphore, #tpu.memory_space<semaphore_mem>>, %arg18: memref<!tpu.dma_semaphore, #tpu.memory_space<semaphore_mem>>, %arg19: memref<!tpu.dma_semaphore, #tpu.memory_space<semaphore_mem>>) attributes {dimension_semantics = [#tpu.dimension_semantics<core_parallel>, #tpu.dimension_semantics<subcore_parallel>], iteration_bounds = array<i64: 2, 16>, scalar_prefetch = 0 : i64, scratch_operands = 11 : i64, tpu.core_type = #tpu.core_type<sc_vector_subcore>, window_params = [{transform_indices = #map}, {transform_indices = #map}, {transform_indices = #map1}, {transform_indices = #map1}, {transform_indices = #map}, {transform_indices = #map}, {transform_indices = #map}]} {
    %mul3A = arith.constant 2 : i32
    %mul3A_0 = arith.muli %arg1, %mul3A : i32
    %add3A = arith.addi %mul3A_0, %arg0 : i32
    %mul3A_1 = arith.constant 512 : i32
    %mul3A_2 = arith.muli %add3A, %mul3A_1 : i32
    "tpu.region"() ({
      %run_scoped3A = tpu.sem_alloc : memref<!tpu.dma_semaphore, #tpu.memory_space<semaphore_mem>>
      %dma_start3A_37 = tpu.memref_slice %arg2[%mul3A_2] : memref<16384xi32, #tpu.memory_space<hbm>> -> memref<512xi32, #tpu.memory_space<hbm>>
      %dma_start3A_38 = tpu.memref_slice %arg2[%mul3A_2] : memref<16384xi32, #tpu.memory_space<hbm>> -> memref<512xi32, #tpu.memory_space<hbm>>
      tpu.enqueue_dma source(%dma_start3A_38 : memref<512xi32, #tpu.memory_space<hbm>>) target(%arg9 : memref<512xi32, #tpu.memory_space<vmem>>) target_semaphore(%run_scoped3A : memref<!tpu.dma_semaphore, #tpu.memory_space<semaphore_mem>>)
      %dma_wait3A_39 = tpu.memref_slice %arg2[%mul3A_2] : memref<16384xi32, #tpu.memory_space<hbm>> -> memref<512xi32, #tpu.memory_space<hbm>>
      %dma_wait3A_40 = tpu.memref_slice %arg2[%mul3A_2] : memref<16384xi32, #tpu.memory_space<hbm>> -> memref<512xi32, #tpu.memory_space<hbm>>
      tpu.wait_dma2 semaphore(%run_scoped3A : memref<!tpu.dma_semaphore, #tpu.memory_space<semaphore_mem>>) src(%dma_wait3A_40 : memref<512xi32, #tpu.memory_space<hbm>>) dst(%arg9 : memref<512xi32, #tpu.memory_space<vmem>>)
      tpu.yield
    }) : () -> ()
    "tpu.region"() ({
      %run_scoped3A = tpu.sem_alloc : memref<!tpu.dma_semaphore, #tpu.memory_space<semaphore_mem>>
      %dma_start3A_37 = tpu.memref_slice %arg3[%mul3A_2] : memref<16384xi32, #tpu.memory_space<hbm>> -> memref<512xi32, #tpu.memory_space<hbm>>
      %dma_start3A_38 = tpu.memref_slice %arg3[%mul3A_2] : memref<16384xi32, #tpu.memory_space<hbm>> -> memref<512xi32, #tpu.memory_space<hbm>>
      tpu.enqueue_dma source(%dma_start3A_38 : memref<512xi32, #tpu.memory_space<hbm>>) target(%arg10 : memref<512xi32, #tpu.memory_space<vmem>>) target_semaphore(%run_scoped3A : memref<!tpu.dma_semaphore, #tpu.memory_space<semaphore_mem>>)
      %dma_wait3A_39 = tpu.memref_slice %arg3[%mul3A_2] : memref<16384xi32, #tpu.memory_space<hbm>> -> memref<512xi32, #tpu.memory_space<hbm>>
      %dma_wait3A_40 = tpu.memref_slice %arg3[%mul3A_2] : memref<16384xi32, #tpu.memory_space<hbm>> -> memref<512xi32, #tpu.memory_space<hbm>>
      tpu.wait_dma2 semaphore(%run_scoped3A : memref<!tpu.dma_semaphore, #tpu.memory_space<semaphore_mem>>) src(%dma_wait3A_40 : memref<512xi32, #tpu.memory_space<hbm>>) dst(%arg10 : memref<512xi32, #tpu.memory_space<vmem>>)
      tpu.yield
    }) : () -> ()
    %dma_start3A = arith.constant 0 : i32
    %dma_start3A_3 = arith.constant 0 : i32
    %dma_start3A_4 = tpu.memref_slice %arg4[%dma_start3A, %dma_start3A_3] : memref<1000001x32xf32, #tpu.memory_space<hbm>> -> memref<1000001x32xf32, #tpu.memory_space<hbm>>
    tpu.enqueue_indirect_dma source(%dma_start3A_4 : memref<1000001x32xf32, #tpu.memory_space<hbm>>) target(%arg11 : memref<512x32xf32, #tpu.memory_space<vmem>>) offsets(%arg9 : memref<512xi32, #tpu.memory_space<vmem>>) semaphore(%arg16 : memref<!tpu.dma_semaphore, #tpu.memory_space<semaphore_mem>>)
    %dma_start3A_5 = arith.constant 0 : i32
    %dma_start3A_6 = arith.constant 0 : i32
    %dma_start3A_7 = tpu.memref_slice %arg5[%dma_start3A_5, %dma_start3A_6] : memref<1000001x32xf32, #tpu.memory_space<hbm>> -> memref<1000001x32xf32, #tpu.memory_space<hbm>>
    tpu.enqueue_indirect_dma source(%dma_start3A_7 : memref<1000001x32xf32, #tpu.memory_space<hbm>>) target(%arg12 : memref<512x32xf32, #tpu.memory_space<vmem>>) offsets(%arg10 : memref<512xi32, #tpu.memory_space<vmem>>) semaphore(%arg17 : memref<!tpu.dma_semaphore, #tpu.memory_space<semaphore_mem>>)
    %dma_start3A_8 = arith.constant 0 : i32
    %dma_start3A_9 = tpu.memref_slice %arg6[%dma_start3A_8] : memref<1000001xf32, #tpu.memory_space<hbm>> -> memref<1000001xf32, #tpu.memory_space<hbm>>
    tpu.enqueue_indirect_dma source(%dma_start3A_9 : memref<1000001xf32, #tpu.memory_space<hbm>>) target(%arg13 : memref<512xf32, #tpu.memory_space<vmem>>) offsets(%arg9 : memref<512xi32, #tpu.memory_space<vmem>>) semaphore(%arg18 : memref<!tpu.dma_semaphore, #tpu.memory_space<semaphore_mem>>)
    %dma_start3A_10 = arith.constant 0 : i32
    %dma_start3A_11 = tpu.memref_slice %arg7[%dma_start3A_10] : memref<1000001xf32, #tpu.memory_space<hbm>> -> memref<1000001xf32, #tpu.memory_space<hbm>>
    tpu.enqueue_indirect_dma source(%dma_start3A_11 : memref<1000001xf32, #tpu.memory_space<hbm>>) target(%arg14 : memref<512xf32, #tpu.memory_space<vmem>>) offsets(%arg10 : memref<512xi32, #tpu.memory_space<vmem>>) semaphore(%arg19 : memref<!tpu.dma_semaphore, #tpu.memory_space<semaphore_mem>>)
    %dma_wait3A = arith.constant 0 : i32
    %dma_wait3A_12 = arith.constant 0 : i32
    %dma_wait3A_13 = tpu.memref_slice %arg4[%dma_wait3A, %dma_wait3A_12] : memref<1000001x32xf32, #tpu.memory_space<hbm>> -> memref<1000001x32xf32, #tpu.memory_space<hbm>>
    tpu.wait_indirect_dma semaphore(%arg16 : memref<!tpu.dma_semaphore, #tpu.memory_space<semaphore_mem>>) src(%dma_wait3A_13 : memref<1000001x32xf32, #tpu.memory_space<hbm>>) dst(%arg11 : memref<512x32xf32, #tpu.memory_space<vmem>>)
    %dma_wait3A_14 = arith.constant 0 : i32
    %dma_wait3A_15 = arith.constant 0 : i32
    %dma_wait3A_16 = tpu.memref_slice %arg5[%dma_wait3A_14, %dma_wait3A_15] : memref<1000001x32xf32, #tpu.memory_space<hbm>> -> memref<1000001x32xf32, #tpu.memory_space<hbm>>
    tpu.wait_indirect_dma semaphore(%arg17 : memref<!tpu.dma_semaphore, #tpu.memory_space<semaphore_mem>>) src(%dma_wait3A_16 : memref<1000001x32xf32, #tpu.memory_space<hbm>>) dst(%arg12 : memref<512x32xf32, #tpu.memory_space<vmem>>)
    %dma_wait3A_17 = arith.constant 0 : i32
    %dma_wait3A_18 = tpu.memref_slice %arg6[%dma_wait3A_17] : memref<1000001xf32, #tpu.memory_space<hbm>> -> memref<1000001xf32, #tpu.memory_space<hbm>>
    tpu.wait_indirect_dma semaphore(%arg18 : memref<!tpu.dma_semaphore, #tpu.memory_space<semaphore_mem>>) src(%dma_wait3A_18 : memref<1000001xf32, #tpu.memory_space<hbm>>) dst(%arg13 : memref<512xf32, #tpu.memory_space<vmem>>)
    %dma_wait3A_19 = arith.constant 0 : i32
    %dma_wait3A_20 = tpu.memref_slice %arg7[%dma_wait3A_19] : memref<1000001xf32, #tpu.memory_space<hbm>> -> memref<1000001xf32, #tpu.memory_space<hbm>>
    tpu.wait_indirect_dma semaphore(%arg19 : memref<!tpu.dma_semaphore, #tpu.memory_space<semaphore_mem>>) src(%dma_wait3A_20 : memref<1000001xf32, #tpu.memory_space<hbm>>) dst(%arg14 : memref<512xf32, #tpu.memory_space<vmem>>)
    %iota3A = tpu.iota {dimensions = array<i32: 0>} : vector<16xi32>
    %xor3A = arith.constant 8 : i32
    %xor3A_21 = vector.broadcast %xor3A : i32 to vector<16xi32>
    %xor3A_22 = arith.xori %iota3A, %xor3A_21 : vector<16xi32>
    %xor3A_23 = arith.constant 4 : i32
    %xor3A_24 = vector.broadcast %xor3A_23 : i32 to vector<16xi32>
    %xor3A_25 = arith.xori %iota3A, %xor3A_24 : vector<16xi32>
    %xor3A_26 = arith.constant 2 : i32
    %xor3A_27 = vector.broadcast %xor3A_26 : i32 to vector<16xi32>
    %xor3A_28 = arith.xori %iota3A, %xor3A_27 : vector<16xi32>
    %xor3A_29 = arith.constant 1 : i32
    %xor3A_30 = vector.broadcast %xor3A_29 : i32 to vector<16xi32>
    %xor3A_31 = arith.xori %iota3A, %xor3A_30 : vector<16xi32>
    %scan3A = arith.constant 0 : i32
    %scan3A_32 = arith.constant 0 : i32
    %scan3A_33 = arith.constant 32 : i32
    %scan3A_34 = arith.addi %scan3A_32, %scan3A_33 : i32
    %scan3A_35 = arith.constant 1 : i32
    scf.for %scan3A_37 = %scan3A_32 to %scan3A_34 step %scan3A_35  : i32 {
      %broadcast_in_dim3A = arith.constant 0.000000e+00 : f32
      %broadcast_in_dim3A_38 = vector.broadcast %broadcast_in_dim3A : f32 to vector<16xf32>
      %mul3A_39 = arith.constant 16 : i32
      %mul3A_40 = arith.muli %scan3A_37, %mul3A_39 : i32
      %add3A_41 = arith.constant 0 : i32
      %add3A_42 = arith.addi %mul3A_40, %add3A_41 : i32
      %get3A = arith.index_cast %add3A_42 : i32 to index
      %get3A_43 = arith.constant 0 : index
      %get3A_44 = tpu.vector_load %arg11[%get3A, %get3A_43] {strides = array<i32>} : memref<512x32xf32, #tpu.memory_space<vmem>>, vector<1x16xf32>,
      %get3A_45 = vector.shape_cast %get3A_44 : vector<1x16xf32> to vector<16xf32>
      %get3A_46 = arith.index_cast %add3A_42 : i32 to index
      %get3A_47 = arith.constant 0 : index
      %get3A_48 = tpu.vector_load %arg12[%get3A_46, %get3A_47] {strides = array<i32>} : memref<512x32xf32, #tpu.memory_space<vmem>>, vector<1x16xf32>,
      %get3A_49 = vector.shape_cast %get3A_48 : vector<1x16xf32> to vector<16xf32>
      %mul3A_50 = arith.mulf %get3A_45, %get3A_49 : vector<16xf32>
      %get3A_51 = arith.index_cast %add3A_42 : i32 to index
      %get3A_52 = arith.constant 16 : index
      %get3A_53 = tpu.vector_load %arg11[%get3A_51, %get3A_52] {strides = array<i32>} : memref<512x32xf32, #tpu.memory_space<vmem>>, vector<1x16xf32>,
      %get3A_54 = vector.shape_cast %get3A_53 : vector<1x16xf32> to vector<16xf32>
      %get3A_55 = arith.index_cast %add3A_42 : i32 to index
      %get3A_56 = arith.constant 16 : index
      %get3A_57 = tpu.vector_load %arg12[%get3A_55, %get3A_56] {strides = array<i32>} : memref<512x32xf32, #tpu.memory_space<vmem>>, vector<1x16xf32>,
      %get3A_58 = vector.shape_cast %get3A_57 : vector<1x16xf32> to vector<16xf32>
      %mul3A_59 = arith.mulf %get3A_54, %get3A_58 : vector<16xf32>
      %add3A_60 = arith.addf %mul3A_50, %mul3A_59 : vector<16xf32>
      %broadcast_in_dim3A_61 = vector.shape_cast %xor3A_22 : vector<16xi32> to vector<16x1xi32>
      %gather3A = vector.shape_cast %broadcast_in_dim3A_61 : vector<16x1xi32> to vector<16xi32>
      %gather3A_62 = tpu.dynamic_gather %add3A_60[%gather3A] in [0] : vector<16xf32>, vector<16xi32> -> vector<16xf32>
      %add3A_63 = arith.addf %add3A_60, %gather3A_62 : vector<16xf32>
      %broadcast_in_dim3A_64 = vector.shape_cast %xor3A_25 : vector<16xi32> to vector<16x1xi32>
      %gather3A_65 = vector.shape_cast %broadcast_in_dim3A_64 : vector<16x1xi32> to vector<16xi32>
      %gather3A_66 = tpu.dynamic_gather %add3A_63[%gather3A_65] in [0] : vector<16xf32>, vector<16xi32> -> vector<16xf32>
      %add3A_67 = arith.addf %add3A_63, %gather3A_66 : vector<16xf32>
      %broadcast_in_dim3A_68 = vector.shape_cast %xor3A_28 : vector<16xi32> to vector<16x1xi32>
      %gather3A_69 = vector.shape_cast %broadcast_in_dim3A_68 : vector<16x1xi32> to vector<16xi32>
      %gather3A_70 = tpu.dynamic_gather %add3A_67[%gather3A_69] in [0] : vector<16xf32>, vector<16xi32> -> vector<16xf32>
      %add3A_71 = arith.addf %add3A_67, %gather3A_70 : vector<16xf32>
      %broadcast_in_dim3A_72 = vector.shape_cast %xor3A_31 : vector<16xi32> to vector<16x1xi32>
      %gather3A_73 = vector.shape_cast %broadcast_in_dim3A_72 : vector<16x1xi32> to vector<16xi32>
      %gather3A_74 = tpu.dynamic_gather %add3A_71[%gather3A_73] in [0] : vector<16xf32>, vector<16xi32> -> vector<16xf32>
      %add3A_75 = arith.addf %add3A_71, %gather3A_74 : vector<16xf32>
      %eq3A = arith.constant 0 : i32
      %eq3A_76 = vector.broadcast %eq3A : i32 to vector<16xi32>
      %eq3A_77 = arith.cmpi eq, %iota3A, %eq3A_76 : vector<16xi32>
      %select_n3A = arith.select %eq3A_77, %add3A_75, %broadcast_in_dim3A_38 : vector<16xi1>, vector<16xf32>
      %mul3A_78 = arith.constant 16 : i32
      %mul3A_79 = arith.muli %scan3A_37, %mul3A_78 : i32
      %add3A_80 = arith.constant 1 : i32
      %add3A_81 = arith.addi %mul3A_79, %add3A_80 : i32
      %get3A_82 = arith.index_cast %add3A_81 : i32 to index
      %get3A_83 = arith.constant 0 : index
      %get3A_84 = tpu.vector_load %arg11[%get3A_82, %get3A_83] {strides = array<i32>} : memref<512x32xf32, #tpu.memory_space<vmem>>, vector<1x16xf32>,
      %get3A_85 = vector.shape_cast %get3A_84 : vector<1x16xf32> to vector<16xf32>
      %get3A_86 = arith.index_cast %add3A_81 : i32 to index
      %get3A_87 = arith.constant 0 : index
      %get3A_88 = tpu.vector_load %arg12[%get3A_86, %get3A_87] {strides = array<i32>} : memref<512x32xf32, #tpu.memory_space<vmem>>, vector<1x16xf32>,
      %get3A_89 = vector.shape_cast %get3A_88 : vector<1x16xf32> to vector<16xf32>
      %mul3A_90 = arith.mulf %get3A_85, %get3A_89 : vector<16xf32>
      %get3A_91 = arith.index_cast %add3A_81 : i32 to index
      %get3A_92 = arith.constant 16 : index
      %get3A_93 = tpu.vector_load %arg11[%get3A_91, %get3A_92] {strides = array<i32>} : memref<512x32xf32, #tpu.memory_space<vmem>>, vector<1x16xf32>,
      %get3A_94 = vector.shape_cast %get3A_93 : vector<1x16xf32> to vector<16xf32>
      %get3A_95 = arith.index_cast %add3A_81 : i32 to index
      %get3A_96 = arith.constant 16 : index
      %get3A_97 = tpu.vector_load %arg12[%get3A_95, %get3A_96] {strides = array<i32>} : memref<512x32xf32, #tpu.memory_space<vmem>>, vector<1x16xf32>,
      %get3A_98 = vector.shape_cast %get3A_97 : vector<1x16xf32> to vector<16xf32>
      %mul3A_99 = arith.mulf %get3A_94, %get3A_98 : vector<16xf32>
      %add3A_100 = arith.addf %mul3A_90, %mul3A_99 : vector<16xf32>
      %broadcast_in_dim3A_101 = vector.shape_cast %xor3A_22 : vector<16xi32> to vector<16x1xi32>
      %gather3A_102 = vector.shape_cast %broadcast_in_dim3A_101 : vector<16x1xi32> to vector<16xi32>
      %gather3A_103 = tpu.dynamic_gather %add3A_100[%gather3A_102] in [0] : vector<16xf32>, vector<16xi32> -> vector<16xf32>
      %add3A_104 = arith.addf %add3A_100, %gather3A_103 : vector<16xf32>
      %broadcast_in_dim3A_105 = vector.shape_cast %xor3A_25 : vector<16xi32> to vector<16x1xi32>
      %gather3A_106 = vector.shape_cast %broadcast_in_dim3A_105 : vector<16x1xi32> to vector<16xi32>
      %gather3A_107 = tpu.dynamic_gather %add3A_104[%gather3A_106] in [0] : vector<16xf32>, vector<16xi32> -> vector<16xf32>
      %add3A_108 = arith.addf %add3A_104, %gather3A_107 : vector<16xf32>
      %broadcast_in_dim3A_109 = vector.shape_cast %xor3A_28 : vector<16xi32> to vector<16x1xi32>
      %gather3A_110 = vector.shape_cast %broadcast_in_dim3A_109 : vector<16x1xi32> to vector<16xi32>
      %gather3A_111 = tpu.dynamic_gather %add3A_108[%gather3A_110] in [0] : vector<16xf32>, vector<16xi32> -> vector<16xf32>
      %add3A_112 = arith.addf %add3A_108, %gather3A_111 : vector<16xf32>
      %broadcast_in_dim3A_113 = vector.shape_cast %xor3A_31 : vector<16xi32> to vector<16x1xi32>
      %gather3A_114 = vector.shape_cast %broadcast_in_dim3A_113 : vector<16x1xi32> to vector<16xi32>
      %gather3A_115 = tpu.dynamic_gather %add3A_112[%gather3A_114] in [0] : vector<16xf32>, vector<16xi32> -> vector<16xf32>
      %add3A_116 = arith.addf %add3A_112, %gather3A_115 : vector<16xf32>
      %eq3A_117 = arith.constant 1 : i32
      %eq3A_118 = vector.broadcast %eq3A_117 : i32 to vector<16xi32>
      %eq3A_119 = arith.cmpi eq, %iota3A, %eq3A_118 : vector<16xi32>
      %select_n3A_120 = arith.select %eq3A_119, %add3A_116, %select_n3A : vector<16xi1>, vector<16xf32>
      %mul3A_121 = arith.constant 16 : i32
      %mul3A_122 = arith.muli %scan3A_37, %mul3A_121 : i32
      %add3A_123 = arith.constant 2 : i32
      %add3A_124 = arith.addi %mul3A_122, %add3A_123 : i32
      %get3A_125 = arith.index_cast %add3A_124 : i32 to index
      %get3A_126 = arith.constant 0 : index
      %get3A_127 = tpu.vector_load %arg11[%get3A_125, %get3A_126] {strides = array<i32>} : memref<512x32xf32, #tpu.memory_space<vmem>>, vector<1x16xf32>,
      %get3A_128 = vector.shape_cast %get3A_127 : vector<1x16xf32> to vector<16xf32>
      %get3A_129 = arith.index_cast %add3A_124 : i32 to index
      %get3A_130 = arith.constant 0 : index
      %get3A_131 = tpu.vector_load %arg12[%get3A_129, %get3A_130] {strides = array<i32>} : memref<512x32xf32, #tpu.memory_space<vmem>>, vector<1x16xf32>,
      %get3A_132 = vector.shape_cast %get3A_131 : vector<1x16xf32> to vector<16xf32>
      %mul3A_133 = arith.mulf %get3A_128, %get3A_132 : vector<16xf32>
      %get3A_134 = arith.index_cast %add3A_124 : i32 to index
      %get3A_135 = arith.constant 16 : index
      %get3A_136 = tpu.vector_load %arg11[%get3A_134, %get3A_135] {strides = array<i32>} : memref<512x32xf32, #tpu.memory_space<vmem>>, vector<1x16xf32>,
      %get3A_137 = vector.shape_cast %get3A_136 : vector<1x16xf32> to vector<16xf32>
      %get3A_138 = arith.index_cast %add3A_124 : i32 to index
      %get3A_139 = arith.constant 16 : index
      %get3A_140 = tpu.vector_load %arg12[%get3A_138, %get3A_139] {strides = array<i32>} : memref<512x32xf32, #tpu.memory_space<vmem>>, vector<1x16xf32>,
      %get3A_141 = vector.shape_cast %get3A_140 : vector<1x16xf32> to vector<16xf32>
      %mul3A_142 = arith.mulf %get3A_137, %get3A_141 : vector<16xf32>
      %add3A_143 = arith.addf %mul3A_133, %mul3A_142 : vector<16xf32>
      %broadcast_in_dim3A_144 = vector.shape_cast %xor3A_22 : vector<16xi32> to vector<16x1xi32>
      %gather3A_145 = vector.shape_cast %broadcast_in_dim3A_144 : vector<16x1xi32> to vector<16xi32>
      %gather3A_146 = tpu.dynamic_gather %add3A_143[%gather3A_145] in [0] : vector<16xf32>, vector<16xi32> -> vector<16xf32>
      %add3A_147 = arith.addf %add3A_143, %gather3A_146 : vector<16xf32>
      %broadcast_in_dim3A_148 = vector.shape_cast %xor3A_25 : vector<16xi32> to vector<16x1xi32>
      %gather3A_149 = vector.shape_cast %broadcast_in_dim3A_148 : vector<16x1xi32> to vector<16xi32>
      %gather3A_150 = tpu.dynamic_gather %add3A_147[%gather3A_149] in [0] : vector<16xf32>, vector<16xi32> -> vector<16xf32>
      %add3A_151 = arith.addf %add3A_147, %gather3A_150 : vector<16xf32>
      %broadcast_in_dim3A_152 = vector.shape_cast %xor3A_28 : vector<16xi32> to vector<16x1xi32>
      %gather3A_153 = vector.shape_cast %broadcast_in_dim3A_152 : vector<16x1xi32> to vector<16xi32>
      %gather3A_154 = tpu.dynamic_gather %add3A_151[%gather3A_153] in [0] : vector<16xf32>, vector<16xi32> -> vector<16xf32>
      %add3A_155 = arith.addf %add3A_151, %gather3A_154 : vector<16xf32>
      %broadcast_in_dim3A_156 = vector.shape_cast %xor3A_31 : vector<16xi32> to vector<16x1xi32>
      %gather3A_157 = vector.shape_cast %broadcast_in_dim3A_156 : vector<16x1xi32> to vector<16xi32>
      %gather3A_158 = tpu.dynamic_gather %add3A_155[%gather3A_157] in [0] : vector<16xf32>, vector<16xi32> -> vector<16xf32>
      %add3A_159 = arith.addf %add3A_155, %gather3A_158 : vector<16xf32>
      %eq3A_160 = arith.constant 2 : i32
      %eq3A_161 = vector.broadcast %eq3A_160 : i32 to vector<16xi32>
      %eq3A_162 = arith.cmpi eq, %iota3A, %eq3A_161 : vector<16xi32>
      %select_n3A_163 = arith.select %eq3A_162, %add3A_159, %select_n3A_120 : vector<16xi1>, vector<16xf32>
      %mul3A_164 = arith.constant 16 : i32
      %mul3A_165 = arith.muli %scan3A_37, %mul3A_164 : i32
      %add3A_166 = arith.constant 3 : i32
      %add3A_167 = arith.addi %mul3A_165, %add3A_166 : i32
      %get3A_168 = arith.index_cast %add3A_167 : i32 to index
      %get3A_169 = arith.constant 0 : index
      %get3A_170 = tpu.vector_load %arg11[%get3A_168, %get3A_169] {strides = array<i32>} : memref<512x32xf32, #tpu.memory_space<vmem>>, vector<1x16xf32>,
      %get3A_171 = vector.shape_cast %get3A_170 : vector<1x16xf32> to vector<16xf32>
      %get3A_172 = arith.index_cast %add3A_167 : i32 to index
      %get3A_173 = arith.constant 0 : index
      %get3A_174 = tpu.vector_load %arg12[%get3A_172, %get3A_173] {strides = array<i32>} : memref<512x32xf32, #tpu.memory_space<vmem>>, vector<1x16xf32>,
      %get3A_175 = vector.shape_cast %get3A_174 : vector<1x16xf32> to vector<16xf32>
      %mul3A_176 = arith.mulf %get3A_171, %get3A_175 : vector<16xf32>
      %get3A_177 = arith.index_cast %add3A_167 : i32 to index
      %get3A_178 = arith.constant 16 : index
      %get3A_179 = tpu.vector_load %arg11[%get3A_177, %get3A_178] {strides = array<i32>} : memref<512x32xf32, #tpu.memory_space<vmem>>, vector<1x16xf32>,
      %get3A_180 = vector.shape_cast %get3A_179 : vector<1x16xf32> to vector<16xf32>
      %get3A_181 = arith.index_cast %add3A_167 : i32 to index
      %get3A_182 = arith.constant 16 : index
      %get3A_183 = tpu.vector_load %arg12[%get3A_181, %get3A_182] {strides = array<i32>} : memref<512x32xf32, #tpu.memory_space<vmem>>, vector<1x16xf32>,
      %get3A_184 = vector.shape_cast %get3A_183 : vector<1x16xf32> to vector<16xf32>
      %mul3A_185 = arith.mulf %get3A_180, %get3A_184 : vector<16xf32>
      %add3A_186 = arith.addf %mul3A_176, %mul3A_185 : vector<16xf32>
      %broadcast_in_dim3A_187 = vector.shape_cast %xor3A_22 : vector<16xi32> to vector<16x1xi32>
      %gather3A_188 = vector.shape_cast %broadcast_in_dim3A_187 : vector<16x1xi32> to vector<16xi32>
      %gather3A_189 = tpu.dynamic_gather %add3A_186[%gather3A_188] in [0] : vector<16xf32>, vector<16xi32> -> vector<16xf32>
      %add3A_190 = arith.addf %add3A_186, %gather3A_189 : vector<16xf32>
      %broadcast_in_dim3A_191 = vector.shape_cast %xor3A_25 : vector<16xi32> to vector<16x1xi32>
      %gather3A_192 = vector.shape_cast %broadcast_in_dim3A_191 : vector<16x1xi32> to vector<16xi32>
      %gather3A_193 = tpu.dynamic_gather %add3A_190[%gather3A_192] in [0] : vector<16xf32>, vector<16xi32> -> vector<16xf32>
      %add3A_194 = arith.addf %add3A_190, %gather3A_193 : vector<16xf32>
      %broadcast_in_dim3A_195 = vector.shape_cast %xor3A_28 : vector<16xi32> to vector<16x1xi32>
      %gather3A_196 = vector.shape_cast %broadcast_in_dim3A_195 : vector<16x1xi32> to vector<16xi32>
      %gather3A_197 = tpu.dynamic_gather %add3A_194[%gather3A_196] in [0] : vector<16xf32>, vector<16xi32> -> vector<16xf32>
      %add3A_198 = arith.addf %add3A_194, %gather3A_197 : vector<16xf32>
      %broadcast_in_dim3A_199 = vector.shape_cast %xor3A_31 : vector<16xi32> to vector<16x1xi32>
      %gather3A_200 = vector.shape_cast %broadcast_in_dim3A_199 : vector<16x1xi32> to vector<16xi32>
      %gather3A_201 = tpu.dynamic_gather %add3A_198[%gather3A_200] in [0] : vector<16xf32>, vector<16xi32> -> vector<16xf32>
      %add3A_202 = arith.addf %add3A_198, %gather3A_201 : vector<16xf32>
      %eq3A_203 = arith.constant 3 : i32
      %eq3A_204 = vector.broadcast %eq3A_203 : i32 to vector<16xi32>
      %eq3A_205 = arith.cmpi eq, %iota3A, %eq3A_204 : vector<16xi32>
      %select_n3A_206 = arith.select %eq3A_205, %add3A_202, %select_n3A_163 : vector<16xi1>, vector<16xf32>
      %mul3A_207 = arith.constant 16 : i32
      %mul3A_208 = arith.muli %scan3A_37, %mul3A_207 : i32
      %add3A_209 = arith.constant 4 : i32
      %add3A_210 = arith.addi %mul3A_208, %add3A_209 : i32
      %get3A_211 = arith.index_cast %add3A_210 : i32 to index
      %get3A_212 = arith.constant 0 : index
      %get3A_213 = tpu.vector_load %arg11[%get3A_211, %get3A_212] {strides = array<i32>} : memref<512x32xf32, #tpu.memory_space<vmem>>, vector<1x16xf32>,
      %get3A_214 = vector.shape_cast %get3A_213 : vector<1x16xf32> to vector<16xf32>
      %get3A_215 = arith.index_cast %add3A_210 : i32 to index
      %get3A_216 = arith.constant 0 : index
      %get3A_217 = tpu.vector_load %arg12[%get3A_215, %get3A_216] {strides = array<i32>} : memref<512x32xf32, #tpu.memory_space<vmem>>, vector<1x16xf32>,
      %get3A_218 = vector.shape_cast %get3A_217 : vector<1x16xf32> to vector<16xf32>
      %mul3A_219 = arith.mulf %get3A_214, %get3A_218 : vector<16xf32>
      %get3A_220 = arith.index_cast %add3A_210 : i32 to index
      %get3A_221 = arith.constant 16 : index
      %get3A_222 = tpu.vector_load %arg11[%get3A_220, %get3A_221] {strides = array<i32>} : memref<512x32xf32, #tpu.memory_space<vmem>>, vector<1x16xf32>,
      %get3A_223 = vector.shape_cast %get3A_222 : vector<1x16xf32> to vector<16xf32>
      %get3A_224 = arith.index_cast %add3A_210 : i32 to index
      %get3A_225 = arith.constant 16 : index
      %get3A_226 = tpu.vector_load %arg12[%get3A_224, %get3A_225] {strides = array<i32>} : memref<512x32xf32, #tpu.memory_space<vmem>>, vector<1x16xf32>,
      %get3A_227 = vector.shape_cast %get3A_226 : vector<1x16xf32> to vector<16xf32>
      %mul3A_228 = arith.mulf %get3A_223, %get3A_227 : vector<16xf32>
      %add3A_229 = arith.addf %mul3A_219, %mul3A_228 : vector<16xf32>
      %broadcast_in_dim3A_230 = vector.shape_cast %xor3A_22 : vector<16xi32> to vector<16x1xi32>
      %gather3A_231 = vector.shape_cast %broadcast_in_dim3A_230 : vector<16x1xi32> to vector<16xi32>
      %gather3A_232 = tpu.dynamic_gather %add3A_229[%gather3A_231] in [0] : vector<16xf32>, vector<16xi32> -> vector<16xf32>
      %add3A_233 = arith.addf %add3A_229, %gather3A_232 : vector<16xf32>
      %broadcast_in_dim3A_234 = vector.shape_cast %xor3A_25 : vector<16xi32> to vector<16x1xi32>
      %gather3A_235 = vector.shape_cast %broadcast_in_dim3A_234 : vector<16x1xi32> to vector<16xi32>
      %gather3A_236 = tpu.dynamic_gather %add3A_233[%gather3A_235] in [0] : vector<16xf32>, vector<16xi32> -> vector<16xf32>
      %add3A_237 = arith.addf %add3A_233, %gather3A_236 : vector<16xf32>
      %broadcast_in_dim3A_238 = vector.shape_cast %xor3A_28 : vector<16xi32> to vector<16x1xi32>
      %gather3A_239 = vector.shape_cast %broadcast_in_dim3A_238 : vector<16x1xi32> to vector<16xi32>
      %gather3A_240 = tpu.dynamic_gather %add3A_237[%gather3A_239] in [0] : vector<16xf32>, vector<16xi32> -> vector<16xf32>
      %add3A_241 = arith.addf %add3A_237, %gather3A_240 : vector<16xf32>
      %broadcast_in_dim3A_242 = vector.shape_cast %xor3A_31 : vector<16xi32> to vector<16x1xi32>
      %gather3A_243 = vector.shape_cast %broadcast_in_dim3A_242 : vector<16x1xi32> to vector<16xi32>
      %gather3A_244 = tpu.dynamic_gather %add3A_241[%gather3A_243] in [0] : vector<16xf32>, vector<16xi32> -> vector<16xf32>
      %add3A_245 = arith.addf %add3A_241, %gather3A_244 : vector<16xf32>
      %eq3A_246 = arith.constant 4 : i32
      %eq3A_247 = vector.broadcast %eq3A_246 : i32 to vector<16xi32>
      %eq3A_248 = arith.cmpi eq, %iota3A, %eq3A_247 : vector<16xi32>
      %select_n3A_249 = arith.select %eq3A_248, %add3A_245, %select_n3A_206 : vector<16xi1>, vector<16xf32>
      %mul3A_250 = arith.constant 16 : i32
      %mul3A_251 = arith.muli %scan3A_37, %mul3A_250 : i32
      %add3A_252 = arith.constant 5 : i32
      %add3A_253 = arith.addi %mul3A_251, %add3A_252 : i32
      %get3A_254 = arith.index_cast %add3A_253 : i32 to index
      %get3A_255 = arith.constant 0 : index
      %get3A_256 = tpu.vector_load %arg11[%get3A_254, %get3A_255] {strides = array<i32>} : memref<512x32xf32, #tpu.memory_space<vmem>>, vector<1x16xf32>,
      %get3A_257 = vector.shape_cast %get3A_256 : vector<1x16xf32> to vector<16xf32>
      %get3A_258 = arith.index_cast %add3A_253 : i32 to index
      %get3A_259 = arith.constant 0 : index
      %get3A_260 = tpu.vector_load %arg12[%get3A_258, %get3A_259] {strides = array<i32>} : memref<512x32xf32, #tpu.memory_space<vmem>>, vector<1x16xf32>,
      %get3A_261 = vector.shape_cast %get3A_260 : vector<1x16xf32> to vector<16xf32>
      %mul3A_262 = arith.mulf %get3A_257, %get3A_261 : vector<16xf32>
      %get3A_263 = arith.index_cast %add3A_253 : i32 to index
      %get3A_264 = arith.constant 16 : index
      %get3A_265 = tpu.vector_load %arg11[%get3A_263, %get3A_264] {strides = array<i32>} : memref<512x32xf32, #tpu.memory_space<vmem>>, vector<1x16xf32>,
      %get3A_266 = vector.shape_cast %get3A_265 : vector<1x16xf32> to vector<16xf32>
      %get3A_267 = arith.index_cast %add3A_253 : i32 to index
      %get3A_268 = arith.constant 16 : index
      %get3A_269 = tpu.vector_load %arg12[%get3A_267, %get3A_268] {strides = array<i32>} : memref<512x32xf32, #tpu.memory_space<vmem>>, vector<1x16xf32>,
      %get3A_270 = vector.shape_cast %get3A_269 : vector<1x16xf32> to vector<16xf32>
      %mul3A_271 = arith.mulf %get3A_266, %get3A_270 : vector<16xf32>
      %add3A_272 = arith.addf %mul3A_262, %mul3A_271 : vector<16xf32>
      %broadcast_in_dim3A_273 = vector.shape_cast %xor3A_22 : vector<16xi32> to vector<16x1xi32>
      %gather3A_274 = vector.shape_cast %broadcast_in_dim3A_273 : vector<16x1xi32> to vector<16xi32>
      %gather3A_275 = tpu.dynamic_gather %add3A_272[%gather3A_274] in [0] : vector<16xf32>, vector<16xi32> -> vector<16xf32>
      %add3A_276 = arith.addf %add3A_272, %gather3A_275 : vector<16xf32>
      %broadcast_in_dim3A_277 = vector.shape_cast %xor3A_25 : vector<16xi32> to vector<16x1xi32>
      %gather3A_278 = vector.shape_cast %broadcast_in_dim3A_277 : vector<16x1xi32> to vector<16xi32>
      %gather3A_279 = tpu.dynamic_gather %add3A_276[%gather3A_278] in [0] : vector<16xf32>, vector<16xi32> -> vector<16xf32>
      %add3A_280 = arith.addf %add3A_276, %gather3A_279 : vector<16xf32>
      %broadcast_in_dim3A_281 = vector.shape_cast %xor3A_28 : vector<16xi32> to vector<16x1xi32>
      %gather3A_282 = vector.shape_cast %broadcast_in_dim3A_281 : vector<16x1xi32> to vector<16xi32>
      %gather3A_283 = tpu.dynamic_gather %add3A_280[%gather3A_282] in [0] : vector<16xf32>, vector<16xi32> -> vector<16xf32>
      %add3A_284 = arith.addf %add3A_280, %gather3A_283 : vector<16xf32>
      %broadcast_in_dim3A_285 = vector.shape_cast %xor3A_31 : vector<16xi32> to vector<16x1xi32>
      %gather3A_286 = vector.shape_cast %broadcast_in_dim3A_285 : vector<16x1xi32> to vector<16xi32>
      %gather3A_287 = tpu.dynamic_gather %add3A_284[%gather3A_286] in [0] : vector<16xf32>, vector<16xi32> -> vector<16xf32>
      %add3A_288 = arith.addf %add3A_284, %gather3A_287 : vector<16xf32>
      %eq3A_289 = arith.constant 5 : i32
      %eq3A_290 = vector.broadcast %eq3A_289 : i32 to vector<16xi32>
      %eq3A_291 = arith.cmpi eq, %iota3A, %eq3A_290 : vector<16xi32>
      %select_n3A_292 = arith.select %eq3A_291, %add3A_288, %select_n3A_249 : vector<16xi1>, vector<16xf32>
      %mul3A_293 = arith.constant 16 : i32
      %mul3A_294 = arith.muli %scan3A_37, %mul3A_293 : i32
      %add3A_295 = arith.constant 6 : i32
      %add3A_296 = arith.addi %mul3A_294, %add3A_295 : i32
      %get3A_297 = arith.index_cast %add3A_296 : i32 to index
      %get3A_298 = arith.constant 0 : index
      %get3A_299 = tpu.vector_load %arg11[%get3A_297, %get3A_298] {strides = array<i32>} : memref<512x32xf32, #tpu.memory_space<vmem>>, vector<1x16xf32>,
      %get3A_300 = vector.shape_cast %get3A_299 : vector<1x16xf32> to vector<16xf32>
      %get3A_301 = arith.index_cast %add3A_296 : i32 to index
      %get3A_302 = arith.constant 0 : index
      %get3A_303 = tpu.vector_load %arg12[%get3A_301, %get3A_302] {strides = array<i32>} : memref<512x32xf32, #tpu.memory_space<vmem>>, vector<1x16xf32>,
      %get3A_304 = vector.shape_cast %get3A_303 : vector<1x16xf32> to vector<16xf32>
      %mul3A_305 = arith.mulf %get3A_300, %get3A_304 : vector<16xf32>
      %get3A_306 = arith.index_cast %add3A_296 : i32 to index
      %get3A_307 = arith.constant 16 : index
      %get3A_308 = tpu.vector_load %arg11[%get3A_306, %get3A_307] {strides = array<i32>} : memref<512x32xf32, #tpu.memory_space<vmem>>, vector<1x16xf32>,
      %get3A_309 = vector.shape_cast %get3A_308 : vector<1x16xf32> to vector<16xf32>
      %get3A_310 = arith.index_cast %add3A_296 : i32 to index
      %get3A_311 = arith.constant 16 : index
      %get3A_312 = tpu.vector_load %arg12[%get3A_310, %get3A_311] {strides = array<i32>} : memref<512x32xf32, #tpu.memory_space<vmem>>, vector<1x16xf32>,
      %get3A_313 = vector.shape_cast %get3A_312 : vector<1x16xf32> to vector<16xf32>
      %mul3A_314 = arith.mulf %get3A_309, %get3A_313 : vector<16xf32>
      %add3A_315 = arith.addf %mul3A_305, %mul3A_314 : vector<16xf32>
      %broadcast_in_dim3A_316 = vector.shape_cast %xor3A_22 : vector<16xi32> to vector<16x1xi32>
      %gather3A_317 = vector.shape_cast %broadcast_in_dim3A_316 : vector<16x1xi32> to vector<16xi32>
      %gather3A_318 = tpu.dynamic_gather %add3A_315[%gather3A_317] in [0] : vector<16xf32>, vector<16xi32> -> vector<16xf32>
      %add3A_319 = arith.addf %add3A_315, %gather3A_318 : vector<16xf32>
      %broadcast_in_dim3A_320 = vector.shape_cast %xor3A_25 : vector<16xi32> to vector<16x1xi32>
      %gather3A_321 = vector.shape_cast %broadcast_in_dim3A_320 : vector<16x1xi32> to vector<16xi32>
      %gather3A_322 = tpu.dynamic_gather %add3A_319[%gather3A_321] in [0] : vector<16xf32>, vector<16xi32> -> vector<16xf32>
      %add3A_323 = arith.addf %add3A_319, %gather3A_322 : vector<16xf32>
      %broadcast_in_dim3A_324 = vector.shape_cast %xor3A_28 : vector<16xi32> to vector<16x1xi32>
      %gather3A_325 = vector.shape_cast %broadcast_in_dim3A_324 : vector<16x1xi32> to vector<16xi32>
      %gather3A_326 = tpu.dynamic_gather %add3A_323[%gather3A_325] in [0] : vector<16xf32>, vector<16xi32> -> vector<16xf32>
      %add3A_327 = arith.addf %add3A_323, %gather3A_326 : vector<16xf32>
      %broadcast_in_dim3A_328 = vector.shape_cast %xor3A_31 : vector<16xi32> to vector<16x1xi32>
      %gather3A_329 = vector.shape_cast %broadcast_in_dim3A_328 : vector<16x1xi32> to vector<16xi32>
      %gather3A_330 = tpu.dynamic_gather %add3A_327[%gather3A_329] in [0] : vector<16xf32>, vector<16xi32> -> vector<16xf32>
      %add3A_331 = arith.addf %add3A_327, %gather3A_330 : vector<16xf32>
      %eq3A_332 = arith.constant 6 : i32
      %eq3A_333 = vector.broadcast %eq3A_332 : i32 to vector<16xi32>
      %eq3A_334 = arith.cmpi eq, %iota3A, %eq3A_333 : vector<16xi32>
      %select_n3A_335 = arith.select %eq3A_334, %add3A_331, %select_n3A_292 : vector<16xi1>, vector<16xf32>
      %mul3A_336 = arith.constant 16 : i32
      %mul3A_337 = arith.muli %scan3A_37, %mul3A_336 : i32
      %add3A_338 = arith.constant 7 : i32
      %add3A_339 = arith.addi %mul3A_337, %add3A_338 : i32
      %get3A_340 = arith.index_cast %add3A_339 : i32 to index
      %get3A_341 = arith.constant 0 : index
      %get3A_342 = tpu.vector_load %arg11[%get3A_340, %get3A_341] {strides = array<i32>} : memref<512x32xf32, #tpu.memory_space<vmem>>, vector<1x16xf32>,
      %get3A_343 = vector.shape_cast %get3A_342 : vector<1x16xf32> to vector<16xf32>
      %get3A_344 = arith.index_cast %add3A_339 : i32 to index
      %get3A_345 = arith.constant 0 : index
      %get3A_346 = tpu.vector_load %arg12[%get3A_344, %get3A_345] {strides = array<i32>} : memref<512x32xf32, #tpu.memory_space<vmem>>, vector<1x16xf32>,
      %get3A_347 = vector.shape_cast %get3A_346 : vector<1x16xf32> to vector<16xf32>
      %mul3A_348 = arith.mulf %get3A_343, %get3A_347 : vector<16xf32>
      %get3A_349 = arith.index_cast %add3A_339 : i32 to index
      %get3A_350 = arith.constant 16 : index
      %get3A_351 = tpu.vector_load %arg11[%get3A_349, %get3A_350] {strides = array<i32>} : memref<512x32xf32, #tpu.memory_space<vmem>>, vector<1x16xf32>,
      %get3A_352 = vector.shape_cast %get3A_351 : vector<1x16xf32> to vector<16xf32>
      %get3A_353 = arith.index_cast %add3A_339 : i32 to index
      %get3A_354 = arith.constant 16 : index
      %get3A_355 = tpu.vector_load %arg12[%get3A_353, %get3A_354] {strides = array<i32>} : memref<512x32xf32, #tpu.memory_space<vmem>>, vector<1x16xf32>,
      %get3A_356 = vector.shape_cast %get3A_355 : vector<1x16xf32> to vector<16xf32>
      %mul3A_357 = arith.mulf %get3A_352, %get3A_356 : vector<16xf32>
      %add3A_358 = arith.addf %mul3A_348, %mul3A_357 : vector<16xf32>
      %broadcast_in_dim3A_359 = vector.shape_cast %xor3A_22 : vector<16xi32> to vector<16x1xi32>
      %gather3A_360 = vector.shape_cast %broadcast_in_dim3A_359 : vector<16x1xi32> to vector<16xi32>
      %gather3A_361 = tpu.dynamic_gather %add3A_358[%gather3A_360] in [0] : vector<16xf32>, vector<16xi32> -> vector<16xf32>
      %add3A_362 = arith.addf %add3A_358, %gather3A_361 : vector<16xf32>
      %broadcast_in_dim3A_363 = vector.shape_cast %xor3A_25 : vector<16xi32> to vector<16x1xi32>
      %gather3A_364 = vector.shape_cast %broadcast_in_dim3A_363 : vector<16x1xi32> to vector<16xi32>
      %gather3A_365 = tpu.dynamic_gather %add3A_362[%gather3A_364] in [0] : vector<16xf32>, vector<16xi32> -> vector<16xf32>
      %add3A_366 = arith.addf %add3A_362, %gather3A_365 : vector<16xf32>
      %broadcast_in_dim3A_367 = vector.shape_cast %xor3A_28 : vector<16xi32> to vector<16x1xi32>
      %gather3A_368 = vector.shape_cast %broadcast_in_dim3A_367 : vector<16x1xi32> to vector<16xi32>
      %gather3A_369 = tpu.dynamic_gather %add3A_366[%gather3A_368] in [0] : vector<16xf32>, vector<16xi32> -> vector<16xf32>
      %add3A_370 = arith.addf %add3A_366, %gather3A_369 : vector<16xf32>
      %broadcast_in_dim3A_371 = vector.shape_cast %xor3A_31 : vector<16xi32> to vector<16x1xi32>
      %gather3A_372 = vector.shape_cast %broadcast_in_dim3A_371 : vector<16x1xi32> to vector<16xi32>
      %gather3A_373 = tpu.dynamic_gather %add3A_370[%gather3A_372] in [0] : vector<16xf32>, vector<16xi32> -> vector<16xf32>
      %add3A_374 = arith.addf %add3A_370, %gather3A_373 : vector<16xf32>
      %eq3A_375 = arith.constant 7 : i32
      %eq3A_376 = vector.broadcast %eq3A_375 : i32 to vector<16xi32>
      %eq3A_377 = arith.cmpi eq, %iota3A, %eq3A_376 : vector<16xi32>
      %select_n3A_378 = arith.select %eq3A_377, %add3A_374, %select_n3A_335 : vector<16xi1>, vector<16xf32>
      %mul3A_379 = arith.constant 16 : i32
      %mul3A_380 = arith.muli %scan3A_37, %mul3A_379 : i32
      %add3A_381 = arith.constant 8 : i32
      %add3A_382 = arith.addi %mul3A_380, %add3A_381 : i32
      %get3A_383 = arith.index_cast %add3A_382 : i32 to index
      %get3A_384 = arith.constant 0 : index
      %get3A_385 = tpu.vector_load %arg11[%get3A_383, %get3A_384] {strides = array<i32>} : memref<512x32xf32, #tpu.memory_space<vmem>>, vector<1x16xf32>,
      %get3A_386 = vector.shape_cast %get3A_385 : vector<1x16xf32> to vector<16xf32>
      %get3A_387 = arith.index_cast %add3A_382 : i32 to index
      %get3A_388 = arith.constant 0 : index
      %get3A_389 = tpu.vector_load %arg12[%get3A_387, %get3A_388] {strides = array<i32>} : memref<512x32xf32, #tpu.memory_space<vmem>>, vector<1x16xf32>,
      %get3A_390 = vector.shape_cast %get3A_389 : vector<1x16xf32> to vector<16xf32>
      %mul3A_391 = arith.mulf %get3A_386, %get3A_390 : vector<16xf32>
      %get3A_392 = arith.index_cast %add3A_382 : i32 to index
      %get3A_393 = arith.constant 16 : index
      %get3A_394 = tpu.vector_load %arg11[%get3A_392, %get3A_393] {strides = array<i32>} : memref<512x32xf32, #tpu.memory_space<vmem>>, vector<1x16xf32>,
      %get3A_395 = vector.shape_cast %get3A_394 : vector<1x16xf32> to vector<16xf32>
      %get3A_396 = arith.index_cast %add3A_382 : i32 to index
      %get3A_397 = arith.constant 16 : index
      %get3A_398 = tpu.vector_load %arg12[%get3A_396, %get3A_397] {strides = array<i32>} : memref<512x32xf32, #tpu.memory_space<vmem>>, vector<1x16xf32>,
      %get3A_399 = vector.shape_cast %get3A_398 : vector<1x16xf32> to vector<16xf32>
      %mul3A_400 = arith.mulf %get3A_395, %get3A_399 : vector<16xf32>
      %add3A_401 = arith.addf %mul3A_391, %mul3A_400 : vector<16xf32>
      %broadcast_in_dim3A_402 = vector.shape_cast %xor3A_22 : vector<16xi32> to vector<16x1xi32>
      %gather3A_403 = vector.shape_cast %broadcast_in_dim3A_402 : vector<16x1xi32> to vector<16xi32>
      %gather3A_404 = tpu.dynamic_gather %add3A_401[%gather3A_403] in [0] : vector<16xf32>, vector<16xi32> -> vector<16xf32>
      %add3A_405 = arith.addf %add3A_401, %gather3A_404 : vector<16xf32>
      %broadcast_in_dim3A_406 = vector.shape_cast %xor3A_25 : vector<16xi32> to vector<16x1xi32>
      %gather3A_407 = vector.shape_cast %broadcast_in_dim3A_406 : vector<16x1xi32> to vector<16xi32>
      %gather3A_408 = tpu.dynamic_gather %add3A_405[%gather3A_407] in [0] : vector<16xf32>, vector<16xi32> -> vector<16xf32>
      %add3A_409 = arith.addf %add3A_405, %gather3A_408 : vector<16xf32>
      %broadcast_in_dim3A_410 = vector.shape_cast %xor3A_28 : vector<16xi32> to vector<16x1xi32>
      %gather3A_411 = vector.shape_cast %broadcast_in_dim3A_410 : vector<16x1xi32> to vector<16xi32>
      %gather3A_412 = tpu.dynamic_gather %add3A_409[%gather3A_411] in [0] : vector<16xf32>, vector<16xi32> -> vector<16xf32>
      %add3A_413 = arith.addf %add3A_409, %gather3A_412 : vector<16xf32>
      %broadcast_in_dim3A_414 = vector.shape_cast %xor3A_31 : vector<16xi32> to vector<16x1xi32>
      %gather3A_415 = vector.shape_cast %broadcast_in_dim3A_414 : vector<16x1xi32> to vector<16xi32>
      %gather3A_416 = tpu.dynamic_gather %add3A_413[%gather3A_415] in [0] : vector<16xf32>, vector<16xi32> -> vector<16xf32>
      %add3A_417 = arith.addf %add3A_413, %gather3A_416 : vector<16xf32>
      %eq3A_418 = arith.constant 8 : i32
      %eq3A_419 = vector.broadcast %eq3A_418 : i32 to vector<16xi32>
      %eq3A_420 = arith.cmpi eq, %iota3A, %eq3A_419 : vector<16xi32>
      %select_n3A_421 = arith.select %eq3A_420, %add3A_417, %select_n3A_378 : vector<16xi1>, vector<16xf32>
      %mul3A_422 = arith.constant 16 : i32
      %mul3A_423 = arith.muli %scan3A_37, %mul3A_422 : i32
      %add3A_424 = arith.constant 9 : i32
      %add3A_425 = arith.addi %mul3A_423, %add3A_424 : i32
      %get3A_426 = arith.index_cast %add3A_425 : i32 to index
      %get3A_427 = arith.constant 0 : index
      %get3A_428 = tpu.vector_load %arg11[%get3A_426, %get3A_427] {strides = array<i32>} : memref<512x32xf32, #tpu.memory_space<vmem>>, vector<1x16xf32>,
      %get3A_429 = vector.shape_cast %get3A_428 : vector<1x16xf32> to vector<16xf32>
      %get3A_430 = arith.index_cast %add3A_425 : i32 to index
      %get3A_431 = arith.constant 0 : index
      %get3A_432 = tpu.vector_load %arg12[%get3A_430, %get3A_431] {strides = array<i32>} : memref<512x32xf32, #tpu.memory_space<vmem>>, vector<1x16xf32>,
      %get3A_433 = vector.shape_cast %get3A_432 : vector<1x16xf32> to vector<16xf32>
      %mul3A_434 = arith.mulf %get3A_429, %get3A_433 : vector<16xf32>
      %get3A_435 = arith.index_cast %add3A_425 : i32 to index
      %get3A_436 = arith.constant 16 : index
      %get3A_437 = tpu.vector_load %arg11[%get3A_435, %get3A_436] {strides = array<i32>} : memref<512x32xf32, #tpu.memory_space<vmem>>, vector<1x16xf32>,
      %get3A_438 = vector.shape_cast %get3A_437 : vector<1x16xf32> to vector<16xf32>
      %get3A_439 = arith.index_cast %add3A_425 : i32 to index
      %get3A_440 = arith.constant 16 : index
      %get3A_441 = tpu.vector_load %arg12[%get3A_439, %get3A_440] {strides = array<i32>} : memref<512x32xf32, #tpu.memory_space<vmem>>, vector<1x16xf32>,
      %get3A_442 = vector.shape_cast %get3A_441 : vector<1x16xf32> to vector<16xf32>
      %mul3A_443 = arith.mulf %get3A_438, %get3A_442 : vector<16xf32>
      %add3A_444 = arith.addf %mul3A_434, %mul3A_443 : vector<16xf32>
      %broadcast_in_dim3A_445 = vector.shape_cast %xor3A_22 : vector<16xi32> to vector<16x1xi32>
      %gather3A_446 = vector.shape_cast %broadcast_in_dim3A_445 : vector<16x1xi32> to vector<16xi32>
      %gather3A_447 = tpu.dynamic_gather %add3A_444[%gather3A_446] in [0] : vector<16xf32>, vector<16xi32> -> vector<16xf32>
      %add3A_448 = arith.addf %add3A_444, %gather3A_447 : vector<16xf32>
      %broadcast_in_dim3A_449 = vector.shape_cast %xor3A_25 : vector<16xi32> to vector<16x1xi32>
      %gather3A_450 = vector.shape_cast %broadcast_in_dim3A_449 : vector<16x1xi32> to vector<16xi32>
      %gather3A_451 = tpu.dynamic_gather %add3A_448[%gather3A_450] in [0] : vector<16xf32>, vector<16xi32> -> vector<16xf32>
      %add3A_452 = arith.addf %add3A_448, %gather3A_451 : vector<16xf32>
      %broadcast_in_dim3A_453 = vector.shape_cast %xor3A_28 : vector<16xi32> to vector<16x1xi32>
      %gather3A_454 = vector.shape_cast %broadcast_in_dim3A_453 : vector<16x1xi32> to vector<16xi32>
      %gather3A_455 = tpu.dynamic_gather %add3A_452[%gather3A_454] in [0] : vector<16xf32>, vector<16xi32> -> vector<16xf32>
      %add3A_456 = arith.addf %add3A_452, %gather3A_455 : vector<16xf32>
      %broadcast_in_dim3A_457 = vector.shape_cast %xor3A_31 : vector<16xi32> to vector<16x1xi32>
      %gather3A_458 = vector.shape_cast %broadcast_in_dim3A_457 : vector<16x1xi32> to vector<16xi32>
      %gather3A_459 = tpu.dynamic_gather %add3A_456[%gather3A_458] in [0] : vector<16xf32>, vector<16xi32> -> vector<16xf32>
      %add3A_460 = arith.addf %add3A_456, %gather3A_459 : vector<16xf32>
      %eq3A_461 = arith.constant 9 : i32
      %eq3A_462 = vector.broadcast %eq3A_461 : i32 to vector<16xi32>
      %eq3A_463 = arith.cmpi eq, %iota3A, %eq3A_462 : vector<16xi32>
      %select_n3A_464 = arith.select %eq3A_463, %add3A_460, %select_n3A_421 : vector<16xi1>, vector<16xf32>
      %mul3A_465 = arith.constant 16 : i32
      %mul3A_466 = arith.muli %scan3A_37, %mul3A_465 : i32
      %add3A_467 = arith.constant 10 : i32
      %add3A_468 = arith.addi %mul3A_466, %add3A_467 : i32
      %get3A_469 = arith.index_cast %add3A_468 : i32 to index
      %get3A_470 = arith.constant 0 : index
      %get3A_471 = tpu.vector_load %arg11[%get3A_469, %get3A_470] {strides = array<i32>} : memref<512x32xf32, #tpu.memory_space<vmem>>, vector<1x16xf32>,
      %get3A_472 = vector.shape_cast %get3A_471 : vector<1x16xf32> to vector<16xf32>
      %get3A_473 = arith.index_cast %add3A_468 : i32 to index
      %get3A_474 = arith.constant 0 : index
      %get3A_475 = tpu.vector_load %arg12[%get3A_473, %get3A_474] {strides = array<i32>} : memref<512x32xf32, #tpu.memory_space<vmem>>, vector<1x16xf32>,
      %get3A_476 = vector.shape_cast %get3A_475 : vector<1x16xf32> to vector<16xf32>
      %mul3A_477 = arith.mulf %get3A_472, %get3A_476 : vector<16xf32>
      %get3A_478 = arith.index_cast %add3A_468 : i32 to index
      %get3A_479 = arith.constant 16 : index
      %get3A_480 = tpu.vector_load %arg11[%get3A_478, %get3A_479] {strides = array<i32>} : memref<512x32xf32, #tpu.memory_space<vmem>>, vector<1x16xf32>,
      %get3A_481 = vector.shape_cast %get3A_480 : vector<1x16xf32> to vector<16xf32>
      %get3A_482 = arith.index_cast %add3A_468 : i32 to index
      %get3A_483 = arith.constant 16 : index
      %get3A_484 = tpu.vector_load %arg12[%get3A_482, %get3A_483] {strides = array<i32>} : memref<512x32xf32, #tpu.memory_space<vmem>>, vector<1x16xf32>,
      %get3A_485 = vector.shape_cast %get3A_484 : vector<1x16xf32> to vector<16xf32>
      %mul3A_486 = arith.mulf %get3A_481, %get3A_485 : vector<16xf32>
      %add3A_487 = arith.addf %mul3A_477, %mul3A_486 : vector<16xf32>
      %broadcast_in_dim3A_488 = vector.shape_cast %xor3A_22 : vector<16xi32> to vector<16x1xi32>
      %gather3A_489 = vector.shape_cast %broadcast_in_dim3A_488 : vector<16x1xi32> to vector<16xi32>
      %gather3A_490 = tpu.dynamic_gather %add3A_487[%gather3A_489] in [0] : vector<16xf32>, vector<16xi32> -> vector<16xf32>
      %add3A_491 = arith.addf %add3A_487, %gather3A_490 : vector<16xf32>
      %broadcast_in_dim3A_492 = vector.shape_cast %xor3A_25 : vector<16xi32> to vector<16x1xi32>
      %gather3A_493 = vector.shape_cast %broadcast_in_dim3A_492 : vector<16x1xi32> to vector<16xi32>
      %gather3A_494 = tpu.dynamic_gather %add3A_491[%gather3A_493] in [0] : vector<16xf32>, vector<16xi32> -> vector<16xf32>
      %add3A_495 = arith.addf %add3A_491, %gather3A_494 : vector<16xf32>
      %broadcast_in_dim3A_496 = vector.shape_cast %xor3A_28 : vector<16xi32> to vector<16x1xi32>
      %gather3A_497 = vector.shape_cast %broadcast_in_dim3A_496 : vector<16x1xi32> to vector<16xi32>
      %gather3A_498 = tpu.dynamic_gather %add3A_495[%gather3A_497] in [0] : vector<16xf32>, vector<16xi32> -> vector<16xf32>
      %add3A_499 = arith.addf %add3A_495, %gather3A_498 : vector<16xf32>
      %broadcast_in_dim3A_500 = vector.shape_cast %xor3A_31 : vector<16xi32> to vector<16x1xi32>
      %gather3A_501 = vector.shape_cast %broadcast_in_dim3A_500 : vector<16x1xi32> to vector<16xi32>
      %gather3A_502 = tpu.dynamic_gather %add3A_499[%gather3A_501] in [0] : vector<16xf32>, vector<16xi32> -> vector<16xf32>
      %add3A_503 = arith.addf %add3A_499, %gather3A_502 : vector<16xf32>
      %eq3A_504 = arith.constant 10 : i32
      %eq3A_505 = vector.broadcast %eq3A_504 : i32 to vector<16xi32>
      %eq3A_506 = arith.cmpi eq, %iota3A, %eq3A_505 : vector<16xi32>
      %select_n3A_507 = arith.select %eq3A_506, %add3A_503, %select_n3A_464 : vector<16xi1>, vector<16xf32>
      %mul3A_508 = arith.constant 16 : i32
      %mul3A_509 = arith.muli %scan3A_37, %mul3A_508 : i32
      %add3A_510 = arith.constant 11 : i32
      %add3A_511 = arith.addi %mul3A_509, %add3A_510 : i32
      %get3A_512 = arith.index_cast %add3A_511 : i32 to index
      %get3A_513 = arith.constant 0 : index
      %get3A_514 = tpu.vector_load %arg11[%get3A_512, %get3A_513] {strides = array<i32>} : memref<512x32xf32, #tpu.memory_space<vmem>>, vector<1x16xf32>,
      %get3A_515 = vector.shape_cast %get3A_514 : vector<1x16xf32> to vector<16xf32>
      %get3A_516 = arith.index_cast %add3A_511 : i32 to index
      %get3A_517 = arith.constant 0 : index
      %get3A_518 = tpu.vector_load %arg12[%get3A_516, %get3A_517] {strides = array<i32>} : memref<512x32xf32, #tpu.memory_space<vmem>>, vector<1x16xf32>,
      %get3A_519 = vector.shape_cast %get3A_518 : vector<1x16xf32> to vector<16xf32>
      %mul3A_520 = arith.mulf %get3A_515, %get3A_519 : vector<16xf32>
      %get3A_521 = arith.index_cast %add3A_511 : i32 to index
      %get3A_522 = arith.constant 16 : index
      %get3A_523 = tpu.vector_load %arg11[%get3A_521, %get3A_522] {strides = array<i32>} : memref<512x32xf32, #tpu.memory_space<vmem>>, vector<1x16xf32>,
      %get3A_524 = vector.shape_cast %get3A_523 : vector<1x16xf32> to vector<16xf32>
      %get3A_525 = arith.index_cast %add3A_511 : i32 to index
      %get3A_526 = arith.constant 16 : index
      %get3A_527 = tpu.vector_load %arg12[%get3A_525, %get3A_526] {strides = array<i32>} : memref<512x32xf32, #tpu.memory_space<vmem>>, vector<1x16xf32>,
      %get3A_528 = vector.shape_cast %get3A_527 : vector<1x16xf32> to vector<16xf32>
      %mul3A_529 = arith.mulf %get3A_524, %get3A_528 : vector<16xf32>
      %add3A_530 = arith.addf %mul3A_520, %mul3A_529 : vector<16xf32>
      %broadcast_in_dim3A_531 = vector.shape_cast %xor3A_22 : vector<16xi32> to vector<16x1xi32>
      %gather3A_532 = vector.shape_cast %broadcast_in_dim3A_531 : vector<16x1xi32> to vector<16xi32>
      %gather3A_533 = tpu.dynamic_gather %add3A_530[%gather3A_532] in [0] : vector<16xf32>, vector<16xi32> -> vector<16xf32>
      %add3A_534 = arith.addf %add3A_530, %gather3A_533 : vector<16xf32>
      %broadcast_in_dim3A_535 = vector.shape_cast %xor3A_25 : vector<16xi32> to vector<16x1xi32>
      %gather3A_536 = vector.shape_cast %broadcast_in_dim3A_535 : vector<16x1xi32> to vector<16xi32>
      %gather3A_537 = tpu.dynamic_gather %add3A_534[%gather3A_536] in [0] : vector<16xf32>, vector<16xi32> -> vector<16xf32>
      %add3A_538 = arith.addf %add3A_534, %gather3A_537 : vector<16xf32>
      %broadcast_in_dim3A_539 = vector.shape_cast %xor3A_28 : vector<16xi32> to vector<16x1xi32>
      %gather3A_540 = vector.shape_cast %broadcast_in_dim3A_539 : vector<16x1xi32> to vector<16xi32>
      %gather3A_541 = tpu.dynamic_gather %add3A_538[%gather3A_540] in [0] : vector<16xf32>, vector<16xi32> -> vector<16xf32>
      %add3A_542 = arith.addf %add3A_538, %gather3A_541 : vector<16xf32>
      %broadcast_in_dim3A_543 = vector.shape_cast %xor3A_31 : vector<16xi32> to vector<16x1xi32>
      %gather3A_544 = vector.shape_cast %broadcast_in_dim3A_543 : vector<16x1xi32> to vector<16xi32>
      %gather3A_545 = tpu.dynamic_gather %add3A_542[%gather3A_544] in [0] : vector<16xf32>, vector<16xi32> -> vector<16xf32>
      %add3A_546 = arith.addf %add3A_542, %gather3A_545 : vector<16xf32>
      %eq3A_547 = arith.constant 11 : i32
      %eq3A_548 = vector.broadcast %eq3A_547 : i32 to vector<16xi32>
      %eq3A_549 = arith.cmpi eq, %iota3A, %eq3A_548 : vector<16xi32>
      %select_n3A_550 = arith.select %eq3A_549, %add3A_546, %select_n3A_507 : vector<16xi1>, vector<16xf32>
      %mul3A_551 = arith.constant 16 : i32
      %mul3A_552 = arith.muli %scan3A_37, %mul3A_551 : i32
      %add3A_553 = arith.constant 12 : i32
      %add3A_554 = arith.addi %mul3A_552, %add3A_553 : i32
      %get3A_555 = arith.index_cast %add3A_554 : i32 to index
      %get3A_556 = arith.constant 0 : index
      %get3A_557 = tpu.vector_load %arg11[%get3A_555, %get3A_556] {strides = array<i32>} : memref<512x32xf32, #tpu.memory_space<vmem>>, vector<1x16xf32>,
      %get3A_558 = vector.shape_cast %get3A_557 : vector<1x16xf32> to vector<16xf32>
      %get3A_559 = arith.index_cast %add3A_554 : i32 to index
      %get3A_560 = arith.constant 0 : index
      %get3A_561 = tpu.vector_load %arg12[%get3A_559, %get3A_560] {strides = array<i32>} : memref<512x32xf32, #tpu.memory_space<vmem>>, vector<1x16xf32>,
      %get3A_562 = vector.shape_cast %get3A_561 : vector<1x16xf32> to vector<16xf32>
      %mul3A_563 = arith.mulf %get3A_558, %get3A_562 : vector<16xf32>
      %get3A_564 = arith.index_cast %add3A_554 : i32 to index
      %get3A_565 = arith.constant 16 : index
      %get3A_566 = tpu.vector_load %arg11[%get3A_564, %get3A_565] {strides = array<i32>} : memref<512x32xf32, #tpu.memory_space<vmem>>, vector<1x16xf32>,
      %get3A_567 = vector.shape_cast %get3A_566 : vector<1x16xf32> to vector<16xf32>
      %get3A_568 = arith.index_cast %add3A_554 : i32 to index
      %get3A_569 = arith.constant 16 : index
      %get3A_570 = tpu.vector_load %arg12[%get3A_568, %get3A_569] {strides = array<i32>} : memref<512x32xf32, #tpu.memory_space<vmem>>, vector<1x16xf32>,
      %get3A_571 = vector.shape_cast %get3A_570 : vector<1x16xf32> to vector<16xf32>
      %mul3A_572 = arith.mulf %get3A_567, %get3A_571 : vector<16xf32>
      %add3A_573 = arith.addf %mul3A_563, %mul3A_572 : vector<16xf32>
      %broadcast_in_dim3A_574 = vector.shape_cast %xor3A_22 : vector<16xi32> to vector<16x1xi32>
      %gather3A_575 = vector.shape_cast %broadcast_in_dim3A_574 : vector<16x1xi32> to vector<16xi32>
      %gather3A_576 = tpu.dynamic_gather %add3A_573[%gather3A_575] in [0] : vector<16xf32>, vector<16xi32> -> vector<16xf32>
      %add3A_577 = arith.addf %add3A_573, %gather3A_576 : vector<16xf32>
      %broadcast_in_dim3A_578 = vector.shape_cast %xor3A_25 : vector<16xi32> to vector<16x1xi32>
      %gather3A_579 = vector.shape_cast %broadcast_in_dim3A_578 : vector<16x1xi32> to vector<16xi32>
      %gather3A_580 = tpu.dynamic_gather %add3A_577[%gather3A_579] in [0] : vector<16xf32>, vector<16xi32> -> vector<16xf32>
      %add3A_581 = arith.addf %add3A_577, %gather3A_580 : vector<16xf32>
      %broadcast_in_dim3A_582 = vector.shape_cast %xor3A_28 : vector<16xi32> to vector<16x1xi32>
      %gather3A_583 = vector.shape_cast %broadcast_in_dim3A_582 : vector<16x1xi32> to vector<16xi32>
      %gather3A_584 = tpu.dynamic_gather %add3A_581[%gather3A_583] in [0] : vector<16xf32>, vector<16xi32> -> vector<16xf32>
      %add3A_585 = arith.addf %add3A_581, %gather3A_584 : vector<16xf32>
      %broadcast_in_dim3A_586 = vector.shape_cast %xor3A_31 : vector<16xi32> to vector<16x1xi32>
      %gather3A_587 = vector.shape_cast %broadcast_in_dim3A_586 : vector<16x1xi32> to vector<16xi32>
      %gather3A_588 = tpu.dynamic_gather %add3A_585[%gather3A_587] in [0] : vector<16xf32>, vector<16xi32> -> vector<16xf32>
      %add3A_589 = arith.addf %add3A_585, %gather3A_588 : vector<16xf32>
      %eq3A_590 = arith.constant 12 : i32
      %eq3A_591 = vector.broadcast %eq3A_590 : i32 to vector<16xi32>
      %eq3A_592 = arith.cmpi eq, %iota3A, %eq3A_591 : vector<16xi32>
      %select_n3A_593 = arith.select %eq3A_592, %add3A_589, %select_n3A_550 : vector<16xi1>, vector<16xf32>
      %mul3A_594 = arith.constant 16 : i32
      %mul3A_595 = arith.muli %scan3A_37, %mul3A_594 : i32
      %add3A_596 = arith.constant 13 : i32
      %add3A_597 = arith.addi %mul3A_595, %add3A_596 : i32
      %get3A_598 = arith.index_cast %add3A_597 : i32 to index
      %get3A_599 = arith.constant 0 : index
      %get3A_600 = tpu.vector_load %arg11[%get3A_598, %get3A_599] {strides = array<i32>} : memref<512x32xf32, #tpu.memory_space<vmem>>, vector<1x16xf32>,
      %get3A_601 = vector.shape_cast %get3A_600 : vector<1x16xf32> to vector<16xf32>
      %get3A_602 = arith.index_cast %add3A_597 : i32 to index
      %get3A_603 = arith.constant 0 : index
      %get3A_604 = tpu.vector_load %arg12[%get3A_602, %get3A_603] {strides = array<i32>} : memref<512x32xf32, #tpu.memory_space<vmem>>, vector<1x16xf32>,
      %get3A_605 = vector.shape_cast %get3A_604 : vector<1x16xf32> to vector<16xf32>
      %mul3A_606 = arith.mulf %get3A_601, %get3A_605 : vector<16xf32>
      %get3A_607 = arith.index_cast %add3A_597 : i32 to index
      %get3A_608 = arith.constant 16 : index
      %get3A_609 = tpu.vector_load %arg11[%get3A_607, %get3A_608] {strides = array<i32>} : memref<512x32xf32, #tpu.memory_space<vmem>>, vector<1x16xf32>,
      %get3A_610 = vector.shape_cast %get3A_609 : vector<1x16xf32> to vector<16xf32>
      %get3A_611 = arith.index_cast %add3A_597 : i32 to index
      %get3A_612 = arith.constant 16 : index
      %get3A_613 = tpu.vector_load %arg12[%get3A_611, %get3A_612] {strides = array<i32>} : memref<512x32xf32, #tpu.memory_space<vmem>>, vector<1x16xf32>,
      %get3A_614 = vector.shape_cast %get3A_613 : vector<1x16xf32> to vector<16xf32>
      %mul3A_615 = arith.mulf %get3A_610, %get3A_614 : vector<16xf32>
      %add3A_616 = arith.addf %mul3A_606, %mul3A_615 : vector<16xf32>
      %broadcast_in_dim3A_617 = vector.shape_cast %xor3A_22 : vector<16xi32> to vector<16x1xi32>
      %gather3A_618 = vector.shape_cast %broadcast_in_dim3A_617 : vector<16x1xi32> to vector<16xi32>
      %gather3A_619 = tpu.dynamic_gather %add3A_616[%gather3A_618] in [0] : vector<16xf32>, vector<16xi32> -> vector<16xf32>
      %add3A_620 = arith.addf %add3A_616, %gather3A_619 : vector<16xf32>
      %broadcast_in_dim3A_621 = vector.shape_cast %xor3A_25 : vector<16xi32> to vector<16x1xi32>
      %gather3A_622 = vector.shape_cast %broadcast_in_dim3A_621 : vector<16x1xi32> to vector<16xi32>
      %gather3A_623 = tpu.dynamic_gather %add3A_620[%gather3A_622] in [0] : vector<16xf32>, vector<16xi32> -> vector<16xf32>
      %add3A_624 = arith.addf %add3A_620, %gather3A_623 : vector<16xf32>
      %broadcast_in_dim3A_625 = vector.shape_cast %xor3A_28 : vector<16xi32> to vector<16x1xi32>
      %gather3A_626 = vector.shape_cast %broadcast_in_dim3A_625 : vector<16x1xi32> to vector<16xi32>
      %gather3A_627 = tpu.dynamic_gather %add3A_624[%gather3A_626] in [0] : vector<16xf32>, vector<16xi32> -> vector<16xf32>
      %add3A_628 = arith.addf %add3A_624, %gather3A_627 : vector<16xf32>
      %broadcast_in_dim3A_629 = vector.shape_cast %xor3A_31 : vector<16xi32> to vector<16x1xi32>
      %gather3A_630 = vector.shape_cast %broadcast_in_dim3A_629 : vector<16x1xi32> to vector<16xi32>
      %gather3A_631 = tpu.dynamic_gather %add3A_628[%gather3A_630] in [0] : vector<16xf32>, vector<16xi32> -> vector<16xf32>
      %add3A_632 = arith.addf %add3A_628, %gather3A_631 : vector<16xf32>
      %eq3A_633 = arith.constant 13 : i32
      %eq3A_634 = vector.broadcast %eq3A_633 : i32 to vector<16xi32>
      %eq3A_635 = arith.cmpi eq, %iota3A, %eq3A_634 : vector<16xi32>
      %select_n3A_636 = arith.select %eq3A_635, %add3A_632, %select_n3A_593 : vector<16xi1>, vector<16xf32>
      %mul3A_637 = arith.constant 16 : i32
      %mul3A_638 = arith.muli %scan3A_37, %mul3A_637 : i32
      %add3A_639 = arith.constant 14 : i32
      %add3A_640 = arith.addi %mul3A_638, %add3A_639 : i32
      %get3A_641 = arith.index_cast %add3A_640 : i32 to index
      %get3A_642 = arith.constant 0 : index
      %get3A_643 = tpu.vector_load %arg11[%get3A_641, %get3A_642] {strides = array<i32>} : memref<512x32xf32, #tpu.memory_space<vmem>>, vector<1x16xf32>,
      %get3A_644 = vector.shape_cast %get3A_643 : vector<1x16xf32> to vector<16xf32>
      %get3A_645 = arith.index_cast %add3A_640 : i32 to index
      %get3A_646 = arith.constant 0 : index
      %get3A_647 = tpu.vector_load %arg12[%get3A_645, %get3A_646] {strides = array<i32>} : memref<512x32xf32, #tpu.memory_space<vmem>>, vector<1x16xf32>,
      %get3A_648 = vector.shape_cast %get3A_647 : vector<1x16xf32> to vector<16xf32>
      %mul3A_649 = arith.mulf %get3A_644, %get3A_648 : vector<16xf32>
      %get3A_650 = arith.index_cast %add3A_640 : i32 to index
      %get3A_651 = arith.constant 16 : index
      %get3A_652 = tpu.vector_load %arg11[%get3A_650, %get3A_651] {strides = array<i32>} : memref<512x32xf32, #tpu.memory_space<vmem>>, vector<1x16xf32>,
      %get3A_653 = vector.shape_cast %get3A_652 : vector<1x16xf32> to vector<16xf32>
      %get3A_654 = arith.index_cast %add3A_640 : i32 to index
      %get3A_655 = arith.constant 16 : index
      %get3A_656 = tpu.vector_load %arg12[%get3A_654, %get3A_655] {strides = array<i32>} : memref<512x32xf32, #tpu.memory_space<vmem>>, vector<1x16xf32>,
      %get3A_657 = vector.shape_cast %get3A_656 : vector<1x16xf32> to vector<16xf32>
      %mul3A_658 = arith.mulf %get3A_653, %get3A_657 : vector<16xf32>
      %add3A_659 = arith.addf %mul3A_649, %mul3A_658 : vector<16xf32>
      %broadcast_in_dim3A_660 = vector.shape_cast %xor3A_22 : vector<16xi32> to vector<16x1xi32>
      %gather3A_661 = vector.shape_cast %broadcast_in_dim3A_660 : vector<16x1xi32> to vector<16xi32>
      %gather3A_662 = tpu.dynamic_gather %add3A_659[%gather3A_661] in [0] : vector<16xf32>, vector<16xi32> -> vector<16xf32>
      %add3A_663 = arith.addf %add3A_659, %gather3A_662 : vector<16xf32>
      %broadcast_in_dim3A_664 = vector.shape_cast %xor3A_25 : vector<16xi32> to vector<16x1xi32>
      %gather3A_665 = vector.shape_cast %broadcast_in_dim3A_664 : vector<16x1xi32> to vector<16xi32>
      %gather3A_666 = tpu.dynamic_gather %add3A_663[%gather3A_665] in [0] : vector<16xf32>, vector<16xi32> -> vector<16xf32>
      %add3A_667 = arith.addf %add3A_663, %gather3A_666 : vector<16xf32>
      %broadcast_in_dim3A_668 = vector.shape_cast %xor3A_28 : vector<16xi32> to vector<16x1xi32>
      %gather3A_669 = vector.shape_cast %broadcast_in_dim3A_668 : vector<16x1xi32> to vector<16xi32>
      %gather3A_670 = tpu.dynamic_gather %add3A_667[%gather3A_669] in [0] : vector<16xf32>, vector<16xi32> -> vector<16xf32>
      %add3A_671 = arith.addf %add3A_667, %gather3A_670 : vector<16xf32>
      %broadcast_in_dim3A_672 = vector.shape_cast %xor3A_31 : vector<16xi32> to vector<16x1xi32>
      %gather3A_673 = vector.shape_cast %broadcast_in_dim3A_672 : vector<16x1xi32> to vector<16xi32>
      %gather3A_674 = tpu.dynamic_gather %add3A_671[%gather3A_673] in [0] : vector<16xf32>, vector<16xi32> -> vector<16xf32>
      %add3A_675 = arith.addf %add3A_671, %gather3A_674 : vector<16xf32>
      %eq3A_676 = arith.constant 14 : i32
      %eq3A_677 = vector.broadcast %eq3A_676 : i32 to vector<16xi32>
      %eq3A_678 = arith.cmpi eq, %iota3A, %eq3A_677 : vector<16xi32>
      %select_n3A_679 = arith.select %eq3A_678, %add3A_675, %select_n3A_636 : vector<16xi1>, vector<16xf32>
      %mul3A_680 = arith.constant 16 : i32
      %mul3A_681 = arith.muli %scan3A_37, %mul3A_680 : i32
      %add3A_682 = arith.constant 15 : i32
      %add3A_683 = arith.addi %mul3A_681, %add3A_682 : i32
      %get3A_684 = arith.index_cast %add3A_683 : i32 to index
      %get3A_685 = arith.constant 0 : index
      %get3A_686 = tpu.vector_load %arg11[%get3A_684, %get3A_685] {strides = array<i32>} : memref<512x32xf32, #tpu.memory_space<vmem>>, vector<1x16xf32>,
      %get3A_687 = vector.shape_cast %get3A_686 : vector<1x16xf32> to vector<16xf32>
      %get3A_688 = arith.index_cast %add3A_683 : i32 to index
      %get3A_689 = arith.constant 0 : index
      %get3A_690 = tpu.vector_load %arg12[%get3A_688, %get3A_689] {strides = array<i32>} : memref<512x32xf32, #tpu.memory_space<vmem>>, vector<1x16xf32>,
      %get3A_691 = vector.shape_cast %get3A_690 : vector<1x16xf32> to vector<16xf32>
      %mul3A_692 = arith.mulf %get3A_687, %get3A_691 : vector<16xf32>
      %get3A_693 = arith.index_cast %add3A_683 : i32 to index
      %get3A_694 = arith.constant 16 : index
      %get3A_695 = tpu.vector_load %arg11[%get3A_693, %get3A_694] {strides = array<i32>} : memref<512x32xf32, #tpu.memory_space<vmem>>, vector<1x16xf32>,
      %get3A_696 = vector.shape_cast %get3A_695 : vector<1x16xf32> to vector<16xf32>
      %get3A_697 = arith.index_cast %add3A_683 : i32 to index
      %get3A_698 = arith.constant 16 : index
      %get3A_699 = tpu.vector_load %arg12[%get3A_697, %get3A_698] {strides = array<i32>} : memref<512x32xf32, #tpu.memory_space<vmem>>, vector<1x16xf32>,
      %get3A_700 = vector.shape_cast %get3A_699 : vector<1x16xf32> to vector<16xf32>
      %mul3A_701 = arith.mulf %get3A_696, %get3A_700 : vector<16xf32>
      %add3A_702 = arith.addf %mul3A_692, %mul3A_701 : vector<16xf32>
      %broadcast_in_dim3A_703 = vector.shape_cast %xor3A_22 : vector<16xi32> to vector<16x1xi32>
      %gather3A_704 = vector.shape_cast %broadcast_in_dim3A_703 : vector<16x1xi32> to vector<16xi32>
      %gather3A_705 = tpu.dynamic_gather %add3A_702[%gather3A_704] in [0] : vector<16xf32>, vector<16xi32> -> vector<16xf32>
      %add3A_706 = arith.addf %add3A_702, %gather3A_705 : vector<16xf32>
      %broadcast_in_dim3A_707 = vector.shape_cast %xor3A_25 : vector<16xi32> to vector<16x1xi32>
      %gather3A_708 = vector.shape_cast %broadcast_in_dim3A_707 : vector<16x1xi32> to vector<16xi32>
      %gather3A_709 = tpu.dynamic_gather %add3A_706[%gather3A_708] in [0] : vector<16xf32>, vector<16xi32> -> vector<16xf32>
      %add3A_710 = arith.addf %add3A_706, %gather3A_709 : vector<16xf32>
      %broadcast_in_dim3A_711 = vector.shape_cast %xor3A_28 : vector<16xi32> to vector<16x1xi32>
      %gather3A_712 = vector.shape_cast %broadcast_in_dim3A_711 : vector<16x1xi32> to vector<16xi32>
      %gather3A_713 = tpu.dynamic_gather %add3A_710[%gather3A_712] in [0] : vector<16xf32>, vector<16xi32> -> vector<16xf32>
      %add3A_714 = arith.addf %add3A_710, %gather3A_713 : vector<16xf32>
      %broadcast_in_dim3A_715 = vector.shape_cast %xor3A_31 : vector<16xi32> to vector<16x1xi32>
      %gather3A_716 = vector.shape_cast %broadcast_in_dim3A_715 : vector<16x1xi32> to vector<16xi32>
      %gather3A_717 = tpu.dynamic_gather %add3A_714[%gather3A_716] in [0] : vector<16xf32>, vector<16xi32> -> vector<16xf32>
      %add3A_718 = arith.addf %add3A_714, %gather3A_717 : vector<16xf32>
      %eq3A_719 = arith.constant 15 : i32
      %eq3A_720 = vector.broadcast %eq3A_719 : i32 to vector<16xi32>
      %eq3A_721 = arith.cmpi eq, %iota3A, %eq3A_720 : vector<16xi32>
      %select_n3A_722 = arith.select %eq3A_721, %add3A_718, %select_n3A_679 : vector<16xi1>, vector<16xf32>
      %mul3A_723 = arith.constant 16 : i32
      %mul3A_724 = arith.muli %scan3A_37, %mul3A_723 : i32
      %get3A_725 = arith.index_cast %mul3A_724 : i32 to index
      %get3A_726 = tpu.vector_load %arg13[%get3A_725] {strides = array<i32>} : memref<512xf32, #tpu.memory_space<vmem>>, vector<16xf32>,
      %get3A_727 = vector.shape_cast %get3A_726 : vector<16xf32> to vector<16xf32>
      %add3A_728 = arith.addf %select_n3A_722, %get3A_727 : vector<16xf32>
      %get3A_729 = arith.index_cast %mul3A_724 : i32 to index
      %get3A_730 = tpu.vector_load %arg14[%get3A_729] {strides = array<i32>} : memref<512xf32, #tpu.memory_space<vmem>>, vector<16xf32>,
      %get3A_731 = vector.shape_cast %get3A_730 : vector<16xf32> to vector<16xf32>
      %add3A_732 = arith.addf %add3A_728, %get3A_731 : vector<16xf32>
      %swap3A = arith.index_cast %mul3A_724 : i32 to index
      %swap3A_733 = tpu.vector_load %arg15[%swap3A] {strides = array<i32>} : memref<512xf32, #tpu.memory_space<vmem>>, vector<16xf32>,
      %swap3A_734 = vector.shape_cast %swap3A_733 : vector<16xf32> to vector<16xf32>
      %swap3A_735 = vector.shape_cast %add3A_732 : vector<16xf32> to vector<16xf32>
      tpu.vector_store %arg15[%swap3A], %swap3A_735 {strides = array<i32>} : memref<512xf32, #tpu.memory_space<vmem>>, vector<16xf32>,
    }
    %scan3A_36 = arith.constant 32 : i32
    "tpu.region"() ({
      %run_scoped3A = tpu.sem_alloc : memref<!tpu.dma_semaphore, #tpu.memory_space<semaphore_mem>>
      %dma_start3A_37 = tpu.memref_slice %arg8[%mul3A_2] : memref<16384xf32, #tpu.memory_space<hbm>> -> memref<512xf32, #tpu.memory_space<hbm>>
      %dma_start3A_38 = tpu.memref_slice %arg8[%mul3A_2] : memref<16384xf32, #tpu.memory_space<hbm>> -> memref<512xf32, #tpu.memory_space<hbm>>
      tpu.enqueue_dma source(%arg15 : memref<512xf32, #tpu.memory_space<vmem>>) target(%dma_start3A_38 : memref<512xf32, #tpu.memory_space<hbm>>) target_semaphore(%run_scoped3A : memref<!tpu.dma_semaphore, #tpu.memory_space<semaphore_mem>>)
      %dma_wait3A_39 = tpu.memref_slice %arg8[%mul3A_2] : memref<16384xf32, #tpu.memory_space<hbm>> -> memref<512xf32, #tpu.memory_space<hbm>>
      %dma_wait3A_40 = tpu.memref_slice %arg8[%mul3A_2] : memref<16384xf32, #tpu.memory_space<hbm>> -> memref<512xf32, #tpu.memory_space<hbm>>
      tpu.wait_dma2 semaphore(%run_scoped3A : memref<!tpu.dma_semaphore, #tpu.memory_space<semaphore_mem>>) src(%arg15 : memref<512xf32, #tpu.memory_space<vmem>>) dst(%dma_wait3A_40 : memref<512xf32, #tpu.memory_space<hbm>>)
      tpu.yield
    }) : () -> ()
    return
  }
}

</mosaic_0001>

<sc_bundles>
// kernel: kernel.3.cloned.1.call-start
scs
__scs_entry_jumppad:
0x0: {  	(pc) =	sbr.rel $0x88, $3  }
0x1: {  	(tag) =	ssettag $0x0;
	lr =	simm.s32 $0x1  }
0x2: {  	[smem:$0x3F9B] =	sst lr;
	_ =	strace $0xD0000000  }
0x3: {  	_ = 	snop  }
0x4: {  	_ = 	snop  }
0x5: {  	_ = 	snop  }
0x6: {  	_ = 	snop  }
0x7: {  	_ = 	snop  }
__scs_overlays_trampoline_lowered:
0x8: {  	[smem:$0x3FAA] =	sst s0  }
0x9: {  	[smem:$0x3FAB] =	sst s1  }
0xa: {  	[smem:$0x3FAC] =	sst s2  }
0xb: {  	[smem:$0x3FAD] =	sst s3  }
0xc: {  	[smem:$0x3FAE] =	sst s4  }
0xd: {  	[smem:$0x3FAF] =	sst s5  }
0xe: {  	[smem:$0x3FB0] =	sst s6  }
0xf: {  	[smem:$0x3FB1] =	sst s7  }
0x10: {  	[smem:$0x3FB2] =	sst s8  }
0x11: {  	[smem:$0x3FB3] =	sst s9;
	s0 =	simm.s32 @!p0 $0x0  }
0x12: {  	s1 =	sld [smem:$0x3F99];
	s0 =	simm.s32 @p0 $0x1  }
0x13: {  	[smem:$0x3FB4] =	sst s0;
	s0 =	simm.s32 @!p1 $0x0  }
0x14: {  	s2 =	sld [smem:$0x3F98];
	s0 =	simm.s32 @p1 $0x1  }
0x15: {  	[smem:$0x3FB5] =	sst s0;
	s0 =	simm.s32 @!p2 $0x0  }
0x16: {  	s3 =	sld [smem:$0x3FDB];
	s0 =	simm.s32 @p2 $0x1  }
0x17: {  	s4 =	simm.s32 $0x1BF5;
	[smem:$0x3FB7] =	sst s0  }
0x18: {  	s0 =	sld [smem:$0x3F9A];
	_ =	swait.ge [sflag:s4], $0x0  }
0x19: {  	s7 =	sld [smem:$0x3F9B]  }
0x1a: {  	s8 =	sadd.s32 $0xFFFFE003, lr  }
0x1b: {  	s9 =	sadd.s32 $0xFFFFFEF7, lr;
	s5 =	simm.s32 $0xFFFFFFFF;
	p2 =	slt.u32 s8, $0xFFFFF086  }
0x1c: {  	p1 =	slt.u32 s9, $0xF7A;
	s5 =	simm.s32 @!p2 $0x0  }
0x1d: {  	s5 =	simm.s32 @p1 $0x1;
	p0 =	seq.s32 s7, s2  }
0x1e: {  	s7 =	smul.u32 @!p0 $0xF7A, s2;
	p2 =	seq.s32 @!p0 s5, $0x0  }
0x1f: {  	s9 =	smul.u32 $0xF7A, s1;
	s8 =	simm.s32 @!p0 $0x1BF5;
	p2 =	por !p2, p0  }
0x20: {  	[sflag:s8] =	ssyncset.s32 @!p0 $0xFFFFF086;
	s6 =	sadd.s32 @!p0 s3, s7;
	s7 =	simm.s32 @!p0 $0x108  }
0x21: {  	s3 =	sadd.s32 s3, s9;
	s6 =	sadd.s32 @!p0 $0x88, s6;
	s7 =	simm.s32 @p2 $0x1082  }
0x22: {  	[simem:s7], [sflag:s8] =	dma.local @!p0 [hbm:s6], $0xF7A  }
0x23: {  	s9 =	sor.u32 $0xD0000000, s2;
	s6 =	simm.s32 $0x108;
	_ =	swait.ge @!p0 [sflag:s8], $0x0  }
0x24: {  	s3 =	sadd.s32 $0x88, s3;
	s6 =	simm.s32 @!p1 $0x1082;
	[sflag:s4] =	ssyncset.s32 $0xFFFFF086  }
0x25: {  	[simem:s6], [sflag:s4] =	dma.local [hbm:s3], $0xF7A  }
0x26: {  	[smem:$0x3F9B] =	sst s1;
	(tag) =	ssettag s2;
	_ =	strace s9  }
0x27: {  	s1 =	sld [smem:$0x3FAB]  }
0x28: {  	s2 =	sld [smem:$0x3FAC]  }
0x29: {  	s4 =	sld [smem:$0x3FAE]  }
0x2a: {  	p0 =	seq.s32 s5, $0x0;
	s5 =	sld [smem:$0x3FAF]  }
0x2b: {  	s6 =	sld [smem:$0x3FB0]  }
0x2c: {  	s7 =	sld [smem:$0x3FB1]  }
0x2d: {  	s3 =	simm.s32 $0x108;
	s8 =	sld [smem:$0x3FB2]  }
0x2e: {  	s3 =	simm.s32 @!p0 $0x1082;
	s9 =	sld [smem:$0x3FB3]  }
0x2f: {  	lr =	sadd.s32 s0, s3;
	s0 =	sld [smem:$0x3FAA]  }
0x30: {  	s3 =	sld [smem:$0x3FAD]  }
0x31: {  	[smem:$0x3FB6] =	sst s10  }
0x32: {  	s10 =	sld [smem:$0x3FB4];
	_ =	sdelay $0x3  }
0x33: {  	p0 =	seq.s32 s10, $0x1;
	s10 =	sld [smem:$0x3FB6];
	_ =	sdelay $0x3  }
0x34: {  	[smem:$0x3FB6] =	sst s10  }
0x35: {  	s10 =	sld [smem:$0x3FB5];
	_ =	sdelay $0x3  }
0x36: {  	p1 =	seq.s32 s10, $0x1;
	s10 =	sld [smem:$0x3FB6];
	_ =	sdelay $0x3  }
0x37: {  	[smem:$0x3FB6] =	sst s10  }
0x38: {  	s10 =	sld [smem:$0x3FB7]  }
0x39: {  	_ = 	snop;
	(pc) =	sbr.ind lr, $3  }
0x3a: {  	_ = 	snop  }
0x3b: {  	_ = 	snop  }
0x3c: {  	p2 =	seq.s32 s10, $0x1;
	s10 =	sld [smem:$0x3FB6]  }
0x3d: {  	_ =	shalt  }
0x3e: {  	_ =	shalt  }
0x3f: {  	_ =	shalt  }
0x40: {  	_ =	shalt  }
0x41: {  	_ =	shalt  }
0x42: {  	_ =	shalt  }
0x43: {  	_ =	shalt  }
0x44: {  	_ =	shalt  }
0x45: {  	_ =	shalt  }
0x46: {  	_ =	shalt  }
0x47: {  	_ =	shalt  }
0x48: {  	_ =	shalt  }
0x49: {  	_ =	shalt  }
0x4a: {  	_ =	shalt  }
0x4b: {  	_ =	shalt  }
0x4c: {  	_ =	shalt  }
0x4d: {  	_ =	shalt  }
0x4e: {  	_ =	shalt  }
0x4f: {  	_ =	shalt  }
0x50: {  	_ =	shalt  }
0x51: {  	_ =	shalt  }
0x52: {  	_ =	shalt  }
0x53: {  	_ =	shalt  }
0x54: {  	_ =	shalt  }
0x55: {  	_ =	shalt  }
0x56: {  	_ =	shalt  }
0x57: {  	_ =	shalt  }
0x58: {  	_ =	shalt  }
0x59: {  	_ =	shalt  }
0x5a: {  	_ =	shalt  }
0x5b: {  	_ =	shalt  }
0x5c: {  	_ =	shalt  }
0x5d: {  	_ =	shalt  }
0x5e: {  	_ =	shalt  }
0x5f: {  	_ =	shalt  }
0x60: {  	_ =	shalt  }
0x61: {  	_ =	shalt  }
0x62: {  	_ =	shalt  }
0x63: {  	_ =	shalt  }
0x64: {  	_ =	shalt  }
0x65: {  	_ =	shalt  }
0x66: {  	_ =	shalt  }
0x67: {  	_ =	shalt  }
0x68: {  	_ =	shalt  }
0x69: {  	_ =	shalt  }
0x6a: {  	_ =	shalt  }
0x6b: {  	_ =	shalt  }
0x6c: {  	_ =	shalt  }
0x6d: {  	_ =	shalt  }
0x6e: {  	_ =	shalt  }
0x6f: {  	_ =	shalt  }
0x70: {  	_ =	shalt  }
0x71: {  	_ =	shalt  }
0x72: {  	_ =	shalt  }
0x73: {  	_ =	shalt  }
0x74: {  	_ =	shalt  }
0x75: {  	_ =	shalt  }
0x76: {  	_ =	shalt  }
0x77: {  	_ =	shalt  }
0x78: {  	_ =	shalt  }
0x79: {  	_ =	shalt  }
0x7a: {  	_ =	shalt  }
0x7b: {  	_ =	shalt  }
0x7c: {  	_ =	shalt  }
0x7d: {  	_ =	shalt  }
0x7e: {  	_ =	shalt  }
0x7f: {  	_ =	shalt  }
0x80: {  	_ =	shalt  }
0x81: {  	_ =	shalt  }
0x82: {  	_ =	shalt  }
0x83: {  	_ =	shalt  }
0x84: {  	_ =	shalt  }
0x85: {  	_ =	shalt  }
0x86: {  	_ =	shalt  }
0x87: {  	_ =	shalt  }
.Lfunc_end0:
.L_simem_size_0:
called_computation_lowered:
.L_overlay_start_0:
0x88: {  	s2 =	sld [smem:$0x3FD9]  }
0x89: {  	s3 =	sld [smem:$0x3FFE];
	_ =	sdelay $0x1  }
0x8a: {  	s1 =	srdreg.scid  }
0x8b: {  	s0 =	sand.u32 $0x1, s1  }
0x8c: {  	s17 =	sshll.u32 s0, $0xA;
	s2 =	sadd.s32 s3, s2  }
0x8d: {  	s2 =	sadd.s32 s2, s17  }
0x8e: {  	[smem:$0x3FC2] =	sst s2  }
0x8f: {  	_ = 	snop  }
0x90: {  	s2 =	sld [smem:$0x3FC9]  }
0x91: {  	s18 =	sld [smem:$0x3FC8]  }
0x92: {  	s4 =	sld [smem:$0x3FD0];
	(tm) =	ssettm $0x1  }
0x93: {  	s5 =	sld [smem:$0x3FFB];
	_ =	sdelay $0x3  }
0x94: {  	_ =	strace s5  }
0x95: {  	s5 =	sld [smem:$0x3FFC];
	_ =	sdelay $0x3  }
0x96: {  	_ =	strace s5  }
0x97: {  	s5 =	sld [smem:$0x3FFD];
	_ =	sdelay $0x3  }
0x98: {  	_ =	strace s5  }
0x99: {  	_ =	strace $0x8FFFFFFF  }
0x9a: {  	s19 =	sld [smem:$0x3FDB];
	_ =	sdelay $0x1  }
0x9b: {  	s6 =	simm.s32 $_scs_section_size  }
0x9c: {  	s7 =	simm.s32 $_size__tile_overlayer_lowered;
	s8 =	simm.s32 $_tile_overlayer_lowered  }
0x9d: {  	s22 =	simm.s32 $0x1BFF;
	s21 =	sshll.u32 s8, $0x1;
	s5 =	sadd.s32 s6, s19  }
0x9e: {  	s9 =	simm.s32 $0x0;
	s20 =	sshll.u32 s7, $0x1;
	s7 =	sadd.s32 s21, s5  }
0x9f: {  	[timem:s9], [sflag:s22] =	dma.local [hbm:s7], s20  }
0xa0: {  	_ =	swait.ge [sflag:s22], s20  }
0xa1: {  	s6 =	ssub.s32 $0x0, s20;
	[sflag:s22] =	ssyncset.done $0x0  }
0xa2: {  	[sflag:s22] =	ssyncadd.s32 s6;
	_ =	sdelay $0x1  }
0xa3: {  	s23 =	simm.s32 $0x1B8B  }
0xa4: {  	_ =	swait.ge [sflag:s23], $0x1  }
0xa5: {  	[sflag:s23] =	ssyncset.done $0x0  }
0xa6: {  	s25 =	simm.s32 $0x1B8E;
	s24 =	sld [smem:$0x3FFE];
	[sflag:s23] =	ssyncadd.s32 $0xFFFFFFFF  }
0xa7: {  	s26 =	simm.s32 $execute0_lowered;
	[smem:$0x3FD2] =	sst s25  }
0xa8: {  	s7 =	sshll.u32 s26, $0x1;
	_ =	strace $0x80000046;
	[dreg:$0x1] =	wrdreg $0xFFFFFFFF  }
0xa9: {  	s28 =	simm.s32 $_size_execute0_lowered;
	s5 =	sadd.s32 s5, s7;
	[dreg:$0x0] =	wrdreg $0x0  }
0xaa: {  	s7 =	sshll.u32 s28, $0x1;
	[dreg:$0x2] =	wrdreg s5  }
0xab: {  	[dreg:$0x3] =	wrdreg s7  }
0xac: {  	[dreg:$0x4] =	wrdreg $0xC0  }
0xad: {  	_ =	task [dreg:s9], $0x5FFFF  }
0xae: {  	[dreg:$0x1] =	wrdreg $0xFFFFFFFF  }
0xaf: {  	[dreg:$0x0] =	wrdreg $0x60  }
0xb0: {  	[dreg:$0x2] =	wrdreg s2  }
0xb1: {  	[dreg:$0x3] =	wrdreg s18  }
0xb2: {  	[dreg:$0x4] =	wrdreg s24  }
0xb3: {  	[dreg:$0x5] =	wrdreg s4  }
0xb4: {  	[dreg:$0x6] =	wrdreg $0x9  }
0xb5: {  	_ =	task.clear_ibuf [dreg:s9], $0x7FFFF;
	_ =	strace $0x90000046  }
0xb6: {  	s29 =	simm.s32 $0x9;
	_ =	strace $0x80000048  }
0xb7: {  	_ =	swait.ge [sflag:s29], $0x1  }
0xb8: {  	[sflag:s29] =	ssyncadd.s32 $0xFFFFFFFF  }
0xb9: {  	_ =	strace $0x90000048  }
0xba: {  	_ =	sfence  }
0xbb: {  	s30 =	sld [smem:$0x0];
	_ =	sdelay $0x2  }
0xbc: {  	s31 =	sshll.u32 s1, $0xD;
	s1 =	sshrl.u32 s1, $0x2  }
0xbd: {  	s3 =	sand.u32 $0x4000, s31;
	s1 =	sadd.s32 s1, s30  }
0xbe: {  	s0 =	sor.u32 s3, s0;
	s1 =	sshll.u32 s1, $0x11  }
0xbf: {  	s0 =	sor.u32 s1, s0  }
0xc0: {  	s0 =	sadd.s32 $0x8F2B, s0  }
0xc1: {  	[sflag:s0] =	ssyncadd.remote.s32 $0x1  }
0xc2: {  	_ =	sfence.sel $0xFFFF  }
0xc3: {  	[dreg:$0x0] =	wrdreg $0xFFFFFFFF;
	(pc) =	sbr.abs _section_cstart, $3  }
0xc4: {  	[dreg:$0x1] =	wrdreg $0xFFFFFFFF  }
0xc5: {  	_ =	task.clear_ibuf [dreg:s9], $0x2FFFF;
	_ =	strace $0x9FFFFFFF  }
0xc6: {  	(tm) =	ssettm $0x7FFFFFFF  }
0xc7: {  	_ =	shalt  }
tec
execute0_lowered:
.L_overlay_start_1:
0x0: {  	(tag) =	ssettag $0x1  }
0x1: {  	v0 =	vimm.s32 $0xFEDCBA98;
	v1 =	vimm.s32 $0x76543210  }
0x2: {  	s7 =	rddreg [dreg:$0x0];
	v2 =	vimm.s32 $0xBA98FEDC;
	v3 =	vimm.s32 $0x32107654;
	v4 =	vimm.s32 $0xDCFE98BA  }
0x3: {  	s8 =	rddreg [dreg:$0x1];
	v5 =	vimm.s32 $0x54761032;
	v6 =	vimm.s32 $0xEFCDAB89;
	v7 =	vimm.s32 $0x67452301  }
0x4: {  	s0 =	rddreg [dreg:$0x2];
	vm0 =	vmmov $0x1;
	vm1 =	vmmov $0x3;
	vm2 =	vmmov $0x7  }
0x5: {  	s9 =	rddreg [dreg:$0x3];
	vm3 =	vmmov $0xf;
	vm4 =	vmmov $0x1f;
	vm5 =	vmmov $0x3f  }
0x6: {  	s1 =	rddreg [dreg:$0x4];
	s2 =	simm.s32 $0x0;
	vm6 =	vmmov $0x7f;
	vm7 =	vmmov $0xff;
	vm8 =	vmmov $0x1ff  }
0x7: {  	s5 =	srdreg.scid;
	s3 =	stileid.u32;
	s13 =	simm.s32 $0x400;
	vm9 =	vmmov $0x3ff;
	vm10 =	vmmov $0x7ff;
	vm11 =	vmmov $0xfff  }
0x8: {  	s14 =	simm.s32 $0x4400;
	s15 =	simm.s32 $0x8400;
	s16 =	simm.s32 $0x8600;
	v0 =	vunpack.c.l.s4.s8 v0;
	v1 =	vunpack.c.l.s4.s8 v1;
	v2 =	vunpack.c.l.s4.s8 v2  }
0x9: {  	s17 =	simm.s32 $0x1;
	s18 =	simm.s32 $0x2;
	s19 =	simm.s32 $0x3;
	v3 =	vunpack.c.l.s4.s8 v3;
	v4 =	vunpack.c.l.s4.s8 v4;
	v5 =	vunpack.c.l.s4.s8 v5  }
0xa: {  	s20 =	simm.s32 $0x4;
	s21 =	simm.s32 $0x8800;
	s22 =	simm.s32 $0x0;
	v6 =	vunpack.c.l.s4.s8 v6;
	v7 =	vunpack.c.l.s4.s8 v7;
	v0 =	vunpack.c.0.s8.s32 v0  }
0xb: {  	[smem:$0x7FF] =	sst s2;
	s4 =	sadd.s32 $0x1313000, s0;
	s5 =	sand.u32 $0x1, s5;
	v2 =	vunpack.c.0.s8.s32 v2;
	v3 =	vunpack.c.0.s8.s32 v3;
	v4 =	vunpack.c.0.s8.s32 v4  }
0xc: {  	s6 =	sshll.u32 s3, $0x7;
	_ =	strace $0x80000047;
	s10 =	ssub.s32 $0x2, s5;
	v5 =	vunpack.c.0.s8.s32 v5;
	v6 =	vunpack.c.0.s8.s32 v6;
	v7 =	vunpack.c.0.s8.s32 v7  }
0xd: {  	vm12 =	vmmov $0x1fff;
	s11 =	sshll.u32 s5, $0x6;
	s5 =	sadd.s32 $0xF42600, s0;
	v1 =	vunpack.c.0.s8.s32 v1;
	s12 =	sshrl.u32 s10, $0x1;
	v2 =	vcombine.low v3, v2  }
0xe: {  	s11 =	sor.u32 s11, s6;
	s6 =	sadd.s32 $0x1EA00, s0;
	s10 =	ssub.s32 s10, s12;
	v3 =	vcombine.low v5, v4;
	v4 =	vcombine.low v7, v6;
	v0 =	vand.u32 $0xF, v0  }
0xf: {  	vm13 =	vmmov $0x3fff;
	vm14 =	vmmov $0x7fff;
	s7 =	sadd.s32 s7, s11;
	s8 =	sadd.s32 s8, s11;
	s9 =	sadd.s32 s9, s11;
	v0 =	vcombine.low v0, v1  }
0x10: {  	s11 =	simm.s32 $0x5;
	s12 =	simm.s32 $0x200;
	s10 =	smax.u32 s10, $0x1;
	v1 =	vand.u32 $0xF, v2;
	v2 =	vand.u32 $0xF, v3;
	v3 =	vand.u32 $0xF, v4  }
.LBB2_1:
0x11: {  	[tilespmem:s2], [sflag:$0x5] =	stream.linear.gather [hbm4b:s7+s2], $0x200, $0x38;
	[tilespmem:$0x8A00] =	vst v63  }
0x12: {  	_ =	swait.ge [sflag:s11], $0x200  }
0x13: {  	[sflag:s11] =	ssyncset.done $0x0  }
0x14: {  	[sflag:s11] =	ssyncadd.s32 $0xFFFFFE00  }
0x15: {  	[tilespmem:s12], [sflag:$0x5] =	stream.linear.gather [hbm4b:s8+s2], $0x200, $0x38;
	[tilespmem:$0x8A00] =	vst v63  }
0x16: {  	_ =	swait.ge [sflag:s11], $0x200  }
0x17: {  	[sflag:s11] =	ssyncset.done $0x0  }
0x18: {  	[sflag:s11] =	ssyncadd.s32 $0xFFFFFE00  }
0x19: {  	[tilespmem:s13], [sflag:$0x1] =	stream.indirect.gather [hbm4b:s4+s12], $0x20, s2, s12, $0xb8;
	[tilespmem:$0x8A00] =	vst v63  }
0x1a: {  	_ = 	snop  }
0x1b: {  	[tilespmem:s14], [sflag:$0x2] =	stream.indirect.gather [hbm4b:s5+s12], $0x20, s12, s12, $0xb8;
	[tilespmem:$0x8A00] =	vst v63  }
0x1c: {  	_ = 	snop  }
0x1d: {  	[tilespmem:s15], [sflag:$0x3] =	stream.indirect.gather [hbm4b:s6+s12], $0x1, s2, s12, $0xb8;
	[tilespmem:$0x8A00] =	vst v63  }
0x1e: {  	_ = 	snop  }
0x1f: {  	[tilespmem:s16], [sflag:$0x4] =	stream.indirect.gather [hbm4b:s0+s12], $0x1, s12, s12, $0xb8;
	[tilespmem:$0x8A00] =	vst v63  }
0x20: {  	_ =	swait.ge [sflag:s17], $0x4000  }
0x21: {  	[sflag:s17] =	ssyncset.done $0x0  }
0x22: {  	[sflag:s17] =	ssyncadd.s32 $0xFFFFC000  }
0x23: {  	_ =	swait.ge [sflag:s18], $0x4000  }
0x24: {  	[sflag:s18] =	ssyncset.done $0x0  }
0x25: {  	[sflag:s18] =	ssyncadd.s32 $0xFFFFC000  }
0x26: {  	_ =	swait.ge [sflag:s19], $0x200  }
0x27: {  	[sflag:s19] =	ssyncset.done $0x0  }
0x28: {  	[sflag:s19] =	ssyncadd.s32 $0xFFFFFE00  }
0x29: {  	_ =	swait.ge [sflag:s20], $0x200  }
0x2a: {  	[sflag:s20] =	ssyncset.done $0x0  }
0x2b: {  	s23 =	simm.s32 $0x500;
	[sflag:s20] =	ssyncadd.s32 $0xFFFFFE00  }
0x2c: {  	s24 =	simm.s32 $0x4500;
	v4 =	vld [tilespmem:s23+$0xFFFFFF90]  }
0x2d: {  	v5 =	vld [tilespmem:s24+$0xFFFFFF90]  }
0x2e: {  	v6 =	vld [tilespmem:s24+$0xFFFFFFA0]  }
0x2f: {  	v7 =	vld [tilespmem:s23+$0xFFFFFFB0]  }
0x30: {  	v8 =	vld [tilespmem:s24+$0xFFFFFFB0]  }
0x31: {  	v9 =	vld [tilespmem:s23+$0xFFFFFFD0]  }
0x32: {  	v10 =	vld [tilespmem:s24+$0xFFFFFFD0]  }
0x33: {  	v11 =	vld [tilespmem:s23+$0xFFFFFF20]  }
0x34: {  	v12 =	vld [tilespmem:s24+$0xFFFFFF20]  }
0x35: {  	v13 =	vld [tilespmem:s23+$0xFFFFFF30]  }
0x36: {  	v14 =	vld [tilespmem:s24+$0xFFFFFF30]  }
0x37: {  	v15 =	vld [tilespmem:s23+$0xFFFFFFF0]  }
0x38: {  	v16 =	vld [tilespmem:s24+$0xFFFFFFF0]  }
0x39: {  	v17 =	vld [tilespmem:s23+$0x10]  }
0x3a: {  	v18 =	vld [tilespmem:s24+$0xFFFFFF80]  }
0x3b: {  	v19 =	vld [tilespmem:s24+$0xFFFFFF70]  }
0x3c: {  	v20 =	vld [tilespmem:s23+$0xFFFFFF50]  }
0x3d: {  	v22 =	vld [tilespmem:s24+$0xFFFFFF40]  }
0x3e: {  	v23 =	vld [tilespmem:s23+$0xFFFFFF00];
	v11 =	vmul.f32 v12, v11;
	v12 =	vmul.f32 v14, v13  }
0x3f: {  	v24 =	vld [tilespmem:s23+$0xFFFFFF10]  }
0x40: {  	v26 =	vld [tilespmem:s24+$0xFFFFFF00];
	v11 =	vadd.f32 v12, v11  }
0x41: {  	v27 =	vld [tilespmem:s23+$0xFFFFFF40]  }
0x42: {  	v13 =	vld [tilespmem:s23+$0xFFFFFF70];
	v21 =	vperm.xlane v11, v0  }
0x43: {  	v12 =	vld [tilespmem:s24+$0xFFFFFF50]  }
0x44: {  	v4 =	vmul.f32 v5, v4;
	v5 =	vld [tilespmem:s23+$0xFFFFFF80];
	v11 =	vadd.f32 v11, v21  }
0x45: {  	v21 =	vld [tilespmem:s24+$0xFFFFFF10]  }
0x46: {  	v7 =	vmul.f32 v8, v7;
	v8 =	vld [tilespmem:s24+$0x10];
	v25 =	vperm.xlane v11, v1  }
0x47: {  	v14 =	vld [tilespmem:s24+$0xFFFFFF60];
	v9 =	vmul.f32 v10, v9  }
0x48: {  	v22 =	vmul.f32 v22, v27;
	v12 =	vmul.f32 v12, v20;
	v10 =	vadd.f32 v11, v25;
	v11 =	vld [tilespmem:s23+$0xFFFFFF60]  }
0x49: {  	v23 =	vmul.f32 v26, v23;
	v13 =	vmul.f32 v19, v13;
	v20 =	vld [tilespmem:s23+$0xFFFFFFA0]  }
0x4a: {  	v26 =	vld [tilespmem:s23+$0x30];
	v12 =	vadd.f32 v12, v22;
	v21 =	vmul.f32 v21, v24;
	v19 =	vperm.xlane v10, v2  }
0x4b: {  	v5 =	vmul.f32 v18, v5;
	v8 =	vmul.f32 v8, v17;
	v25 =	vld [tilespmem:s24+$0xFFFFFFC0]  }
0x4c: {  	v18 =	vperm.xlane v12, v0;
	v21 =	vadd.f32 v21, v23;
	v10 =	vadd.f32 v10, v19;
	v19 =	vld [tilespmem:s23+$0xFFFFFFC0]  }
0x4d: {  	v4 =	vadd.f32 v4, v5;
	v11 =	vmul.f32 v14, v11;
	v14 =	vmul.f32 v16, v15;
	v15 =	vld [tilespmem:s23+$0x0]  }
0x4e: {  	v5 =	vmul.f32 v6, v20;
	v16 =	vld [tilespmem:s24+$0x0];
	v17 =	vperm.xlane v21, v0  }
0x4f: {  	v24 =	vld [tilespmem:s24+$0x30];
	v12 =	vadd.f32 v12, v18;
	v18 =	vperm.xlane v4, v0;
	v11 =	vadd.f32 v13, v11  }
0x50: {  	v13 =	vperm.xlane v10, v3;
	v6 =	vadd.f32 v21, v17  }
0x51: {  	v20 =	vld [tilespmem:s24+$0x90];
	v5 =	vadd.f32 v7, v5;
	v4 =	vadd.f32 v4, v18;
	v17 =	vperm.xlane v11, v0  }
0x52: {  	v19 =	vmul.f32 v25, v19;
	v10 =	vadd.f32 v10, v13;
	v13 =	vld [tilespmem:s23+$0x90];
	v21 =	vperm.xlane v6, v1  }
0x53: {  	v15 =	vmul.f32 v16, v15;
	v16 =	vperm.xlane v12, v1;
	v11 =	vadd.f32 v11, v17  }
0x54: {  	v24 =	vmul.f32 v24, v26;
	v9 =	vadd.f32 v9, v19;
	v6 =	vadd.f32 v6, v21  }
0x55: {  	v18 =	vld [tilespmem:s24+$0x70];
	v12 =	vadd.f32 v12, v16;
	v16 =	vperm.xlane v4, v1;
	v19 =	vperm.xlane v11, v1  }
0x56: {  	v8 =	vadd.f32 v8, v15;
	v15 =	vld [tilespmem:s23+$0x70];
	v21 =	vperm.xlane v9, v0;
	v22 =	vperm.xlane v6, v2  }
0x57: {  	v13 =	vmul.f32 v20, v13;
	v20 =	vperm.xlane v12, v2;
	v4 =	vadd.f32 v4, v16;
	v16 =	vld [tilespmem:s23+$0x50]  }
0x58: {  	v23 =	vperm.xlane v8, v0;
	v11 =	vadd.f32 v11, v19;
	v19 =	vld [tilespmem:s24+$0x50];
	v6 =	vadd.f32 v6, v22  }
0x59: {  	v17 =	vld [tilespmem:s23+$0xFFFFFFE0];
	v9 =	vadd.f32 v9, v21;
	v12 =	vadd.f32 v12, v20;
	v20 =	vperm.xlane v4, v2  }
0x5a: {  	v22 =	vld [tilespmem:s24+$0x40];
	v8 =	vadd.f32 v8, v23;
	v21 =	vperm.xlane v11, v2;
	v25 =	vperm.xlane v6, v3  }
0x5b: {  	v23 =	vld [tilespmem:s24+$0xFFFFFFE0];
	v7 =	vperm.xlane v9, v1;
	v15 =	vmul.f32 v18, v15;
	v4 =	vadd.f32 v4, v20  }
0x5c: {  	v11 =	vadd.f32 v11, v21;
	v21 =	vperm.xlane v12, v3;
	v6 =	vadd.f32 v6, v25;
	v25 =	vld [tilespmem:s24+$0x20]  }
0x5d: {  	v20 =	vperm.xlane v5, v0;
	v16 =	vmul.f32 v19, v16;
	v19 =	vld [tilespmem:s23+$0x20]  }
0x5e: {  	v7 =	vadd.f32 v9, v7;
	v9 =	vld [tilespmem:s23+$0x40];
	v12 =	vadd.f32 v12, v21;
	v21 =	vperm.xlane v4, v3  }
0x5f: {  	v5 =	vadd.f32 v5, v20;
	v20 =	vld [tilespmem:s23+$0x60];
	v27 =	vperm.xlane v11, v3;
	v6 =	vsel vm0, v6, v10  }
0x60: {  	v10 =	vld [tilespmem:s24+$0x60];
	v18 =	vperm.xlane v7, v2;
	v4 =	vadd.f32 v4, v21;
	v21 =	vperm.xlane v8, v1  }
0x61: {  	v6 =	vsel vm1, v6, v12;
	v12 =	vmul.f32 v23, v17;
	v17 =	vperm.xlane v5, v1  }
0x62: {  	v11 =	vadd.f32 v11, v27;
	v23 =	vld [tilespmem:s24+$0x80];
	v21 =	vadd.f32 v8, v21;
	v8 =	vmul.f32 v25, v19  }
0x63: {  	v9 =	vmul.f32 v22, v9;
	v19 =	vld [tilespmem:s23+$0x80];
	v12 =	vadd.f32 v14, v12;
	v14 =	vadd.f32 v5, v17  }
0x64: {  	v5 =	vadd.f32 v7, v18;
	v17 =	vld [tilespmem:s24+$0xB0];
	v11 =	vsel vm2, v6, v11;
	v8 =	vadd.f32 v24, v8  }
0x65: {  	v18 =	vmul.f32 v10, v20;
	v9 =	vadd.f32 v16, v9;
	v16 =	vld [tilespmem:s23+$0xB0];
	v10 =	vperm.xlane v14, v2  }
0x66: {  	v4 =	vsel vm3, v11, v4;
	v20 =	vperm.xlane v12, v0;
	v22 =	vperm.xlane v8, v0  }
0x67: {  	v7 =	vperm.xlane v21, v2;
	v24 =	vld [tilespmem:s24+$0xA0];
	v10 =	vadd.f32 v14, v10;
	v14 =	vperm.xlane v9, v0  }
0x68: {  	v25 =	vadd.f32 v12, v20;
	v19 =	vmul.f32 v23, v19;
	v23 =	vld [tilespmem:s23+$0xA0];
	v12 =	vadd.f32 v8, v22  }
0x69: {  	v26 =	vld [tilespmem:s23+$0xC0];
	v6 =	vperm.xlane v5, v3;
	v20 =	vperm.xlane v10, v3;
	v9 =	vadd.f32 v9, v14  }
0x6a: {  	v8 =	vld [tilespmem:s24+$0xD0];
	v11 =	vmul.f32 v17, v16;
	v13 =	vadd.f32 v13, v19;
	v14 =	vperm.xlane v12, v1  }
0x6b: {  	v22 =	vld [tilespmem:s24+$0xC0];
	v17 =	vperm.xlane v25, v1;
	v16 =	vadd.f32 v10, v20;
	v19 =	vperm.xlane v9, v1  }
0x6c: {  	v10 =	vadd.f32 v21, v7;
	v7 =	vperm.xlane v13, v0;
	v21 =	vadd.f32 v12, v14;
	v14 =	vld [tilespmem:s23+$0xD0]  }
0x6d: {  	v4 =	vsel vm4, v4, v16;
	v19 =	vadd.f32 v9, v19;
	v20 =	vmul.f32 v24, v23;
	v12 =	vld [tilespmem:s24+$0xF0]  }
0x6e: {  	v9 =	vadd.f32 v15, v18;
	v15 =	vld [tilespmem:s24+$0xE0];
	v16 =	vadd.f32 v13, v7;
	v23 =	vperm.xlane v21, v2  }
0x6f: {  	v18 =	vperm.xlane v10, v3;
	v13 =	vld [tilespmem:s23+$0xF0];
	v7 =	vadd.f32 v25, v17;
	v24 =	vperm.xlane v19, v2  }
0x70: {  	s26 =	simm.s32 $0x40;
	s25 =	simm.s32 $0x0;
	v22 =	vmul.f32 v22, v26;
	v17 =	vadd.f32 v21, v23;
	v23 =	vperm.xlane v16, v1;
	v21 =	vld [tilespmem:s23+$0xE0]  }
.LBB2_2:
0x71: {  	p0 =	sne.s32 s26, $0x7C0;
	v19 =	vadd.f32 v19, v24;
	v11 =	vadd.f32 v11, v20;
	v8 =	vmul.f32 v8, v14;
	s23 =	sadd.s32 $0x200, s23;
	s24 =	sadd.s32 $0x200, s24  }
0x72: {  	v5 =	vadd.f32 v5, v6;
	s28 =	smov.u32 s26;
	s26 =	sadd.s32 $0x40, s26;
	v6 =	vperm.xlane v17, v3;
	v14 =	vadd.f32 v16, v23  }
0x73: {  	v10 =	vadd.f32 v10, v18;
	v16 =	vperm.xlane v19, v3;
	v8 =	vadd.f32 v8, v22  }
0x74: {  	v12 =	vmul.f32 v12, v13;
	v6 =	vadd.f32 v17, v6;
	v17 =	vperm.xlane v14, v2  }
0x75: {  	v13 =	vadd.f32 v19, v16;
	v16 =	vperm.xlane v9, v0;
	v15 =	vmul.f32 v15, v21  }
0x76: {  	v18 =	vperm.xlane v8, v0;
	v14 =	vadd.f32 v14, v17;
	v17 =	vperm.xlane v11, v0  }
0x77: {  	v19 =	vperm.xlane v7, v2;
	v9 =	vadd.f32 v9, v16;
	v12 =	vadd.f32 v12, v15  }
0x78: {  	v8 =	vadd.f32 v8, v18;
	v15 =	vperm.xlane v14, v3;
	v11 =	vadd.f32 v11, v17  }
0x79: {  	v7 =	vadd.f32 v7, v19;
	v16 =	vperm.xlane v9, v1;
	v17 =	vperm.xlane v12, v0  }
0x7a: {  	v18 =	vperm.xlane v8, v1;
	v14 =	vadd.f32 v14, v15;
	v15 =	vperm.xlane v11, v1  }
0x7b: {  	v19 =	vperm.xlane v7, v3;
	v9 =	vadd.f32 v9, v16;
	v12 =	vadd.f32 v12, v17  }
0x7c: {  	v8 =	vadd.f32 v8, v18;
	v11 =	vadd.f32 v11, v15  }
0x7d: {  	v7 =	vadd.f32 v7, v19;
	v15 =	vperm.xlane v9, v2;
	v16 =	vperm.xlane v12, v1  }
0x7e: {  	v18 =	vperm.xlane v8, v2;
	v17 =	vperm.xlane v11, v2  }
0x7f: {  	v9 =	vadd.f32 v9, v15;
	v12 =	vadd.f32 v12, v16  }
0x80: {  	v4 =	vsel vm5, v4, v5;
	v8 =	vadd.f32 v8, v18;
	v5 =	vadd.f32 v11, v17  }
0x81: {  	v4 =	vsel vm6, v4, v7;
	v7 =	vperm.xlane v9, v3;
	v11 =	vperm.xlane v12, v2  }
0x82: {  	v4 =	vsel vm7, v4, v10;
	v15 =	vperm.xlane v8, v3;
	v10 =	vperm.xlane v5, v3  }
0x83: {  	v4 =	vsel vm8, v4, v6;
	v6 =	vadd.f32 v9, v7;
	v7 =	vadd.f32 v12, v11  }
0x84: {  	s29 =	sshra.s32 s25, $0x2;
	s25 =	smov.u32 s28;
	v4 =	vsel vm9, v4, v13;
	v8 =	vadd.f32 v8, v15;
	v5 =	vadd.f32 v5, v10  }
0x85: {  	v4 =	vsel vm10, v4, v6;
	v6 =	vperm.xlane v7, v3;
	v9 =	vld [tilespmem:s29+$0x8400]  }
0x86: {  	v4 =	vsel vm11, v4, v14  }
0x87: {  	v4 =	vsel vm12, v4, v5;
	v5 =	vadd.f32 v7, v6;
	v6 =	vld [tilespmem:s29+$0x8600]  }
0x88: {  	v4 =	vsel vm13, v4, v8  }
0x89: {  	v4 =	vsel vm14, v4, v5  }
0x8a: {  	v4 =	vadd.f32 v4, v9;
	_ =	sdelay $0x1  }
0x8b: {  	v4 =	vadd.f32 v4, v6;
	_ =	sdelay $0x1  }
0x8c: {  	[tilespmem:s29+$0x8800] =	vst v4  }
0x8d: {  	v4 =	vld [tilespmem:s23+$0xFFFFFF90]  }
0x8e: {  	v5 =	vld [tilespmem:s24+$0xFFFFFF90]  }
0x8f: {  	v6 =	vld [tilespmem:s24+$0xFFFFFFA0]  }
0x90: {  	v7 =	vld [tilespmem:s23+$0xFFFFFFB0]  }
0x91: {  	v8 =	vld [tilespmem:s24+$0xFFFFFFB0]  }
0x92: {  	v9 =	vld [tilespmem:s24+$0xFFFFFFC0]  }
0x93: {  	v10 =	vld [tilespmem:s23+$0xFFFFFFD0]  }
0x94: {  	v11 =	vld [tilespmem:s24+$0xFFFFFFD0]  }
0x95: {  	v12 =	vld [tilespmem:s23+$0xFFFFFF20]  }
0x96: {  	v13 =	vld [tilespmem:s24+$0xFFFFFF20]  }
0x97: {  	v14 =	vld [tilespmem:s23+$0xFFFFFF30]  }
0x98: {  	v15 =	vld [tilespmem:s24+$0xFFFFFF30]  }
0x99: {  	v16 =	vld [tilespmem:s23+$0xFFFFFFF0]  }
0x9a: {  	v17 =	vld [tilespmem:s24+$0xFFFFFFF0]  }
0x9b: {  	v10 =	vmul.f32 v11, v10;
	v12 =	vmul.f32 v13, v12;
	v11 =	vld [tilespmem:s23+$0x10]  }
0x9c: {  	v13 =	vld [tilespmem:s24+$0x10]  }
0x9d: {  	v14 =	vmul.f32 v15, v14;
	v15 =	vld [tilespmem:s24+$0xFFFFFF80]  }
0x9e: {  	v7 =	vmul.f32 v8, v7;
	v18 =	vld [tilespmem:s24+$0xFFFFFF70]  }
0x9f: {  	v8 =	vadd.f32 v14, v12;
	v12 =	vld [tilespmem:s23+$0xFFFFFF70]  }
0xa0: {  	v14 =	vld [tilespmem:s24+$0xFFFFFF60]  }
0xa1: {  	v4 =	vmul.f32 v5, v4;
	v19 =	vperm.xlane v8, v0;
	v20 =	vld [tilespmem:s24+$0xFFFFFF50]  }
0xa2: {  	v5 =	vld [tilespmem:s23+$0xFFFFFF50]  }
0xa3: {  	v8 =	vadd.f32 v8, v19;
	v19 =	vld [tilespmem:s24+$0xFFFFFF40]  }
0xa4: {  	v21 =	vld [tilespmem:s23+$0xFFFFFF00];
	v12 =	vmul.f32 v18, v12  }
0xa5: {  	v18 =	vld [tilespmem:s24+$0xFFFFFF10];
	v22 =	vperm.xlane v8, v1  }
0xa6: {  	v23 =	vld [tilespmem:s23+$0xFFFFFF10]  }
0xa7: {  	v24 =	vld [tilespmem:s24+$0xFFFFFF00];
	v8 =	vadd.f32 v8, v22;
	v5 =	vmul.f32 v20, v5  }
0xa8: {  	v20 =	vld [tilespmem:s23+$0xFFFFFF40]  }
0xa9: {  	v22 =	vperm.xlane v8, v2;
	v25 =	vld [tilespmem:s23+$0xFFFFFF60]  }
0xaa: {  	v26 =	vld [tilespmem:s23+$0xFFFFFF80]  }
0xab: {  	v18 =	vmul.f32 v18, v23;
	v8 =	vadd.f32 v8, v22;
	v22 =	vld [tilespmem:s23+$0xFFFFFFA0]  }
0xac: {  	v21 =	vmul.f32 v24, v21;
	v23 =	vld [tilespmem:s23+$0xFFFFFFC0]  }
0xad: {  	v16 =	vmul.f32 v17, v16;
	v19 =	vmul.f32 v19, v20;
	v20 =	vld [tilespmem:s23+$0xFFFFFFE0]  }
0xae: {  	v11 =	vmul.f32 v13, v11;
	v17 =	vadd.f32 v18, v21;
	v14 =	vmul.f32 v14, v25;
	v18 =	vld [tilespmem:s23+$0x0]  }
0xaf: {  	v13 =	vperm.xlane v8, v3;
	v5 =	vadd.f32 v5, v19;
	v15 =	vmul.f32 v15, v26;
	v19 =	vld [tilespmem:s24+$0x0]  }
0xb0: {  	v21 =	vperm.xlane v17, v0;
	v12 =	vadd.f32 v12, v14;
	v6 =	vmul.f32 v6, v22  }
0xb1: {  	v14 =	vperm.xlane v5, v0;
	v4 =	vadd.f32 v4, v15;
	v9 =	vmul.f32 v9, v23  }
0xb2: {  	v8 =	vadd.f32 v8, v13;
	v15 =	vadd.f32 v17, v21;
	v13 =	vperm.xlane v12, v0;
	v17 =	vld [tilespmem:s24+$0x90]  }
0xb3: {  	v6 =	vadd.f32 v7, v6;
	v5 =	vadd.f32 v5, v14;
	v14 =	vperm.xlane v4, v0;
	v7 =	vld [tilespmem:s23+$0x90]  }
0xb4: {  	v21 =	vperm.xlane v15, v1;
	v12 =	vadd.f32 v12, v13;
	v13 =	vmul.f32 v19, v18;
	v18 =	vld [tilespmem:s24+$0x80]  }
0xb5: {  	v9 =	vadd.f32 v10, v9;
	v19 =	vperm.xlane v5, v1;
	v4 =	vadd.f32 v4, v14;
	v10 =	vld [tilespmem:s24+$0x70]  }
0xb6: {  	v14 =	vadd.f32 v15, v21;
	v15 =	vperm.xlane v12, v1;
	v11 =	vadd.f32 v11, v13;
	v13 =	vld [tilespmem:s23+$0x70]  }
0xb7: {  	v21 =	vperm.xlane v9, v0;
	v5 =	vadd.f32 v5, v19;
	v19 =	vperm.xlane v4, v1;
	v22 =	vld [tilespmem:s24+$0x60]  }
0xb8: {  	v23 =	vperm.xlane v14, v2;
	v12 =	vadd.f32 v12, v15;
	v15 =	vld [tilespmem:s24+$0x50];
	v7 =	vmul.f32 v17, v7  }
0xb9: {  	v9 =	vadd.f32 v9, v21;
	v17 =	vperm.xlane v5, v2;
	v4 =	vadd.f32 v4, v19;
	v19 =	vld [tilespmem:s23+$0x50]  }
0xba: {  	v14 =	vadd.f32 v14, v23;
	v21 =	vperm.xlane v12, v2;
	v23 =	vperm.xlane v11, v0;
	v24 =	vld [tilespmem:s24+$0x40]  }
0xbb: {  	v25 =	vperm.xlane v9, v1;
	v5 =	vadd.f32 v5, v17;
	v17 =	vperm.xlane v4, v2;
	v26 =	vld [tilespmem:s24+$0x30]  }
0xbc: {  	v27 =	vperm.xlane v14, v3;
	v12 =	vadd.f32 v12, v21;
	v11 =	vadd.f32 v11, v23;
	v21 =	vld [tilespmem:s23+$0x30]  }
0xbd: {  	v23 =	vperm.xlane v5, v3;
	v4 =	vadd.f32 v4, v17;
	v17 =	vperm.xlane v6, v0;
	v28 =	vld [tilespmem:s24+$0xFFFFFFE0]  }
0xbe: {  	v14 =	vadd.f32 v14, v27;
	v27 =	vperm.xlane v12, v3;
	v29 =	vld [tilespmem:s24+$0x20];
	v15 =	vmul.f32 v15, v19  }
0xbf: {  	v9 =	vadd.f32 v9, v25;
	v5 =	vadd.f32 v5, v23;
	v19 =	vperm.xlane v4, v3;
	v23 =	vld [tilespmem:s23+$0x20]  }
0xc0: {  	v13 =	vmul.f32 v10, v13;
	v8 =	vsel vm0, v14, v8;
	v12 =	vadd.f32 v12, v27;
	v14 =	vld [tilespmem:s23+$0x40]  }
0xc1: {  	v10 =	vperm.xlane v9, v2;
	v6 =	vadd.f32 v6, v17;
	v4 =	vadd.f32 v4, v19;
	v17 =	vld [tilespmem:s23+$0x60]  }
0xc2: {  	v5 =	vsel vm1, v8, v5;
	v19 =	vperm.xlane v11, v1;
	v8 =	vmul.f32 v28, v20;
	v20 =	vld [tilespmem:s23+$0x80]  }
0xc3: {  	v21 =	vmul.f32 v26, v21;
	v12 =	vsel vm2, v5, v12;
	v5 =	vperm.xlane v6, v1  }
0xc4: {  	v8 =	vadd.f32 v16, v8;
	v16 =	vadd.f32 v11, v19;
	v11 =	vmul.f32 v29, v23  }
0xc5: {  	v19 =	vadd.f32 v6, v5;
	v5 =	vadd.f32 v9, v10;
	v6 =	vmul.f32 v24, v14  }
0xc6: {  	v9 =	vperm.xlane v16, v2;
	v10 =	vadd.f32 v21, v11;
	v17 =	vmul.f32 v22, v17;
	v11 =	vld [tilespmem:s24+$0xB0]  }
0xc7: {  	v14 =	vperm.xlane v19, v2;
	v21 =	vperm.xlane v8, v0;
	v15 =	vadd.f32 v15, v6;
	v22 =	vld [tilespmem:s23+$0xB0]  }
0xc8: {  	v6 =	vperm.xlane v5, v3;
	v23 =	vperm.xlane v10, v0;
	v24 =	vld [tilespmem:s24+$0xA0]  }
0xc9: {  	v18 =	vmul.f32 v18, v20;
	v14 =	vadd.f32 v19, v14;
	v19 =	vperm.xlane v15, v0;
	v20 =	vld [tilespmem:s23+$0xA0]  }
0xca: {  	v21 =	vadd.f32 v8, v21;
	v23 =	vadd.f32 v10, v23  }
0xcb: {  	v4 =	vsel vm3, v12, v4;
	v10 =	vperm.xlane v14, v3;
	v12 =	vadd.f32 v15, v19;
	v8 =	vld [tilespmem:s24+$0xD0]  }
0xcc: {  	v7 =	vadd.f32 v7, v18;
	v15 =	vperm.xlane v23, v1;
	v11 =	vmul.f32 v11, v22;
	v22 =	vld [tilespmem:s24+$0xC0]  }
0xcd: {  	v25 =	vperm.xlane v21, v1;
	v18 =	vadd.f32 v14, v10;
	v19 =	vperm.xlane v12, v1;
	v26 =	vld [tilespmem:s23+$0xC0]  }
.Ltmp0:
0xce: {  	v10 =	vadd.f32 v16, v9;
	v23 =	vadd.f32 v23, v15;
	v15 =	vperm.xlane v7, v0;
	v14 =	vld [tilespmem:s23+$0xD0];
	(pc) =	sbr.rel @p0 .LBB2_2-.Ltmp0, $4  }
0xcf: {  	v4 =	vsel vm4, v4, v18;
	v20 =	vmul.f32 v24, v20;
	v19 =	vadd.f32 v12, v19;
	v12 =	vld [tilespmem:s24+$0xF0]  }
0xd0: {  	v9 =	vadd.f32 v13, v17;
	v27 =	vperm.xlane v23, v2;
	v16 =	vadd.f32 v7, v15;
	v13 =	vld [tilespmem:s23+$0xF0]  }
0xd1: {  	v18 =	vperm.xlane v10, v3;
	v7 =	vadd.f32 v21, v25;
	v24 =	vperm.xlane v19, v2;
	v15 =	vld [tilespmem:s24+$0xE0]  }
0xd2: {  	v17 =	vadd.f32 v23, v27;
	v23 =	vperm.xlane v16, v1;
	v22 =	vmul.f32 v22, v26;
	v21 =	vld [tilespmem:s23+$0xE0]  }
0xd3: {  	_ = 	snop  }
0xd4: {  	v19 =	vadd.f32 v19, v24  }
0xd5: {  	v11 =	vadd.f32 v11, v20;
	v8 =	vmul.f32 v8, v14;
	v36 =	vperm.xlane v9, v0  }
0xd6: {  	v5 =	vadd.f32 v5, v6;
	v40 =	vperm.xlane v7, v2;
	v34 =	vperm.xlane v17, v3  }
0xd7: {  	v10 =	vadd.f32 v10, v18;
	v12 =	vmul.f32 v12, v13;
	v15 =	vmul.f32 v15, v21  }
0xd8: {  	v35 =	vadd.f32 v16, v23;
	v8 =	vadd.f32 v8, v22;
	v37 =	vperm.xlane v11, v0  }
0xd9: {  	v38 =	vperm.xlane v19, v3;
	v9 =	vadd.f32 v9, v36;
	v12 =	vadd.f32 v12, v15  }
0xda: {  	v7 =	vadd.f32 v7, v40;
	v4 =	vsel vm5, v4, v5;
	v39 =	vperm.xlane v8, v0  }
0xdb: {  	v11 =	vadd.f32 v11, v37;
	v42 =	vperm.xlane v9, v1;
	v43 =	vperm.xlane v12, v0  }
0xdc: {  	v6 =	vadd.f32 v17, v34;
	v47 =	vperm.xlane v7, v3;
	v8 =	vadd.f32 v8, v39  }
0xdd: {  	v44 =	vperm.xlane v11, v1;
	v9 =	vadd.f32 v9, v42;
	v12 =	vadd.f32 v12, v43  }
0xde: {  	v45 =	vperm.xlane v35, v2;
	v7 =	vadd.f32 v7, v47;
	v46 =	vperm.xlane v8, v1  }
0xdf: {  	v11 =	vadd.f32 v11, v44;
	v49 =	vperm.xlane v9, v2;
	v50 =	vperm.xlane v12, v1  }
0xe0: {  	v41 =	vadd.f32 v19, v38;
	v4 =	vsel vm6, v4, v7;
	v8 =	vadd.f32 v8, v46  }
0xe1: {  	v51 =	vperm.xlane v11, v2;
	v9 =	vadd.f32 v9, v49;
	v12 =	vadd.f32 v12, v50  }
0xe2: {  	v48 =	vadd.f32 v35, v45;
	v4 =	vsel vm7, v4, v10;
	v53 =	vperm.xlane v8, v2  }
0xe3: {  	v5 =	vadd.f32 v11, v51;
	v54 =	vperm.xlane v9, v3;
	v55 =	vperm.xlane v12, v2  }
0xe4: {  	v52 =	vperm.xlane v48, v3;
	v4 =	vsel vm8, v4, v6;
	v8 =	vadd.f32 v8, v53  }
0xe5: {  	v56 =	vperm.xlane v5, v3;
	v57 =	vadd.f32 v9, v54;
	v58 =	vadd.f32 v12, v55  }
0xe6: {  	s23 =	sshra.s32 s25, $0x2;
	v59 =	vadd.f32 v48, v52;
	v4 =	vsel vm9, v4, v41;
	v60 =	vperm.xlane v8, v3  }
0xe7: {  	v62 =	vld [tilespmem:s23+$0x8400];
	v5 =	vadd.f32 v5, v56;
	v4 =	vsel vm10, v4, v57;
	v61 =	vperm.xlane v58, v3  }
0xe8: {  	v4 =	vsel vm11, v4, v59;
	v8 =	vadd.f32 v8, v60  }
0xe9: {  	v63 =	vld [tilespmem:s23+$0x8600];
	v4 =	vsel vm12, v4, v5;
	v5 =	vadd.f32 v58, v61  }
0xea: {  	v4 =	vsel vm13, v4, v8  }
0xeb: {  	v4 =	vsel vm14, v4, v5  }
0xec: {  	v4 =	vadd.f32 v4, v62;
	_ =	sdelay $0x1  }
0xed: {  	s22 =	sadd.s32 $0x1, s22;
	v4 =	vadd.f32 v4, v63  }
0xee: {  	p0 =	sne.s32 s22, s10  }
.Ltmp1:
0xef: {  	[tilespmem:s23+$0x8800] =	vst v4;
	(pc) =	sbr.rel @p0 .LBB2_1-.Ltmp1, $4  }
0xf0: {  	[hbm4b:s9+s2] =	stream.linear.scatter [tilespmem:s21], [sflag:$0x5], $0x200, $0x38;
	[tilespmem:$0x8A00] =	vst v63  }
0xf1: {  	_ =	swait.ge [sflag:s11], $0x200  }
0xf2: {  	[sflag:s11] =	ssyncset.done $0x0  }
0xf3: {  	[sflag:s11] =	ssyncadd.s32 $0xFFFFFE00  }
0xf4: {  	_ =	sfence.sel $0x180000  }
0xf5: {  	[bflag:$0x0] =	sbarrier.arrive $0xFFFF  }
0xf6: {  	p0 =	sne.s32 s3, $0x0;
	_ =	strace $0x90000047  }
0xf7: {  	s0 =	sadd.s32 @!p0 $0x100000, s1;
	[bflag:$0x2] =	sbarrier.arrive $0xFFFF  }
0xf8: {  	[sflag:s0] =	ssyncadd.tile.s32 @!p0 $0x1;
	_ =	shalt  }
.Lfunc_end2:
_tile_overlayer_lowered:
.L_overlay_start_2:
0xf9: {  	(tag) =	ssettag $0x2  }
0xfa: {  	s0 =	rddreg [dreg:$0x0];
	s2 =	stileid.u32  }
0xfb: {  	s1 =	rddreg [dreg:$0x1];
	p0 =	sne.s32 s2, $0x0  }
0xfc: {  	s3 =	rddreg [dreg:$0x2];
	[bflag:$0x3] =	sbarrier.arrive $0xFFFF;
	s2 =	simm.s32 @!p0 $0x1C05  }
0xfd: {  	[timem:s3], [sflag:s2] =	dma.local @!p0 [hbm:s0], s1  }
0xfe: {  	s0 =	simm.s32 @!p0 $0x5  }
0xff: {  	_ =	swait.ge @!p0 [sflag:s0], s1  }
0x100: {  	s1 =	ssub.s32 @!p0 $0x0, s1;
	[sflag:s0] =	ssyncset.done @!p0 $0x0  }
0x101: {  	[sflag:s0] =	ssyncadd.s32 @!p0 s1  }
0x102: {  	[bflag:$0x3] =	sbarrier.arrive $0xFFFF  }
0x103: {  	_ =	shalt  }

</sc_bundles>
